<compile_context>
chip_gen: v7x
topology: tpu7x:2x2x1
jax: 0.10.2.dev20260603
libtpu: 0.0.44.dev20260713+nightly
codegen_flags: <defaults>
</compile_context>

<pallas_src>
import functools

import jax
import jax.numpy as jnp
from jax import lax
from jax.experimental import pallas as pl
from jax.experimental.pallas import tpu as pltpu
from jax.experimental.pallas import tpu_sc as plsc

NC = 2
NS = 16
NT = NC * NS
CHUNK = 128
DEGW = 128


def _sc_mesh():
    return plsc.VectorSubcoreMesh(core_axis_name="c", subcore_axis_name="s")


def _sc_deg(dst3, rpad):
    nch = dst3.shape[1]
    rpt = rpad // NS

    def body(dst_hbm, out_hbm, dstv, buf, acc):
        c = lax.axis_index("c")
        s = lax.axis_index("s")
        w = s * NC + c

        def zb(k, carry):
            for q in range(DEGW // 16):
                buf[k, pl.ds(q * 16, 16)] = jnp.zeros((16,), jnp.float32)
            return carry

        lax.fori_loop(0, CHUNK, zb, 0)
        for r in range(rpt // CHUNK):
            pltpu.sync_copy(buf, acc.at[pl.ds(s * rpt + r * CHUNK, CHUNK)])

        def ob(k, carry):
            for q in range(DEGW // 16):
                buf[k, pl.ds(q * 16, 16)] = jnp.ones((16,), jnp.float32)
            return carry

        lax.fori_loop(0, CHUNK, ob, 0)
        pltpu.sync_copy(dst_hbm.at[w], dstv)
        plsc.subcore_barrier()

        def step(j, carry):
            pltpu.sync_copy(buf, acc.at[dstv.at[j]], add=True)
            return carry

        lax.fori_loop(0, nch, step, 0)
        plsc.subcore_barrier()
        pltpu.sync_copy(acc.at[pl.ds(s * rpt, rpt)],
                        out_hbm.at[c, pl.ds(s * rpt, rpt)])

    return pl.kernel(
        body,
        out_type=jax.ShapeDtypeStruct((NC, rpad, DEGW), jnp.float32),
        mesh=_sc_mesh(),
        scratch_types=[
            pltpu.VMEM((nch, CHUNK), jnp.int32),
            pltpu.VMEM((CHUNK, DEGW), jnp.float32),
            pltpu.VMEM_SHARED((rpad, DEGW), jnp.float32),
        ],
    )(dst3)


def _sc_edges(h, src3, dst3, rpad):
    nch = src3.shape[1]
    d = h.shape[1]
    rpt = rpad // NS

    def body(h_hbm, src_hbm, dst_hbm, out_hbm, srcv, dstv, rows, acc, sem):
        c = lax.axis_index("c")
        s = lax.axis_index("s")
        w = s * NC + c

        def zb(k, carry):
            rows[k // 8, pl.ds((k % 8) * 16, 16)] = jnp.zeros((16,), jnp.float32)
            return carry

        lax.fori_loop(0, CHUNK * 8, zb, 0)
        for r in range(rpt // CHUNK):
            pltpu.sync_copy(rows, acc.at[pl.ds(s * rpt + r * CHUNK, CHUNK)])
        pltpu.sync_copy(src_hbm.at[w], srcv)
        pltpu.sync_copy(dst_hbm.at[w], dstv)
        plsc.subcore_barrier()

        def step(j, carry):
            pltpu.async_copy(h_hbm.at[srcv.at[j]], rows, sem).wait()
            pltpu.sync_copy(rows, acc.at[dstv.at[j]], add=True)
            return carry

        lax.fori_loop(0, nch, step, 0)
        plsc.subcore_barrier()
        pltpu.sync_copy(acc.at[pl.ds(s * rpt, rpt)],
                        out_hbm.at[c, pl.ds(s * rpt, rpt)])

    return pl.kernel(
        body,
        out_type=jax.ShapeDtypeStruct((NC, rpad, d), jnp.float32),
        mesh=_sc_mesh(),
        scratch_types=[
            pltpu.VMEM((nch, CHUNK), jnp.int32),
            pltpu.VMEM((nch, CHUNK), jnp.int32),
            pltpu.VMEM((CHUNK, d), jnp.float32),
            pltpu.VMEM_SHARED((rpad, d), jnp.float32),
            pltpu.SemaphoreType.DMA,
        ],
    )(h, src3, dst3)


def _tc1(x, W1, degp):
    n = x.shape[0]

    def body(x_ref, w_ref, degp_ref, h_ref, dinv_ref):
        deg = degp_ref[0, :n, 0:1] + degp_ref[1, :n, 0:1] + 1.0
        dinv = lax.rsqrt(deg)
        dinvb = jnp.broadcast_to(dinv, (n, x_ref.shape[1]))
        h = jnp.dot(x_ref[...], w_ref[...], preferred_element_type=jnp.float32)
        h_ref[...] = h * dinvb
        dinv_ref[...] = dinvb

    return pl.pallas_call(
        body,
        out_shape=(
            jax.ShapeDtypeStruct((n, W1.shape[1]), jnp.float32),
            jax.ShapeDtypeStruct((n, W1.shape[1]), jnp.float32),
        ),
    )(x, W1, degp)


def _graphnorm_relu(pre, gw, ga, gb):
    mean = jnp.mean(pre, axis=0, keepdims=True)
    sh = pre - ga * mean
    var = jnp.mean(sh * sh, axis=0, keepdims=True)
    xn = sh * lax.rsqrt(var + 1e-5) * gw + gb
    return jnp.maximum(xn, 0.0)


def _tc2(accp, h1p, dinvb, b1, g1w, g1b, g1a, W2):
    n = h1p.shape[0]

    def body(a_ref, h_ref, d_ref, b_ref, gw_ref, gb_ref, ga_ref, w_ref, o_ref):
        acc = a_ref[0, :n, :] + a_ref[1, :n, :]
        pre = d_ref[...] * (acc + h_ref[...]) + b_ref[...]
        x1 = _graphnorm_relu(pre, gw_ref[...], ga_ref[...], gb_ref[...])
        h2 = jnp.dot(x1, w_ref[...], preferred_element_type=jnp.float32)
        o_ref[...] = d_ref[...] * h2

    return pl.pallas_call(
        body,
        out_shape=jax.ShapeDtypeStruct((n, W2.shape[1]), jnp.float32),
    )(accp, h1p, dinvb, b1, g1w, g1b, g1a, W2)


def _tc3(accp, h2p, dinvb, b2, g2w, g2b, g2a, x, Wh, bh):
    n = h2p.shape[0]
    din = x.shape[1]

    def body(a_ref, h_ref, d_ref, b_ref, gw_ref, gb_ref, ga_ref, x_ref,
             wh_ref, bh_ref, o_ref):
        acc = a_ref[0, :n, :] + a_ref[1, :n, :]
        pre = d_ref[...] * (acc + h_ref[...]) + b_ref[...]
        x2 = _graphnorm_relu(pre, gw_ref[...], ga_ref[...], gb_ref[...])
        out = jnp.dot(x_ref[...], wh_ref[:din, :],
                      preferred_element_type=jnp.float32)
        out = out + jnp.dot(x2, wh_ref[din:, :],
                            preferred_element_type=jnp.float32)
        o_ref[...] = out + bh_ref[...]

    return pl.pallas_call(
        body,
        out_shape=jax.ShapeDtypeStruct((n, Wh.shape[1]), jnp.float32),
    )(accp, h2p, dinvb, b2, g2w, g2b, g2a, x, Wh, bh)


def kernel(x, edge_index, W1, b1, g1w, g1b, g1a, W2, b2, g2w, g2b, g2a, Wh, bh):
    n = x.shape[0]
    e = edge_index.shape[1]
    ei = edge_index.astype(jnp.int32)
    nch = -(-e // (NT * CHUNK))
    e_pad = NT * nch * CHUNK
    rpad = -(-(n + 1) // (NS * CHUNK)) * (NS * CHUNK)
    src3 = jnp.concatenate(
        [ei[0], jnp.zeros((e_pad - e,), jnp.int32)]).reshape(NT, nch, CHUNK)
    dst3 = jnp.concatenate(
        [ei[1], jnp.full((e_pad - e,), n, jnp.int32)]).reshape(NT, nch, CHUNK)

    degp = _sc_deg(dst3, rpad)
    h1p, dinvb = _tc1(x, W1, degp)
    acc1 = _sc_edges(h1p, src3, dst3, rpad)
    h2p = _tc2(acc1, h1p, dinvb, b1, g1w, g1b, g1a, W2)
    acc2 = _sc_edges(h2p, src3, dst3, rpad)
    return _tc3(acc2, h2p, dinvb, b2, g2w, g2b, g2a, x, Wh, bh)

# --- scband reference (transcript-rebuilt; emitter-appended) ---
"""Pipeline reference for scband-res-gcnnet-25658134626484 (READ-ONLY COPY).

The authoritative reference and input builder live on the scoring server;
editing this copy changes nothing except your own understanding.
"""

import jax, jax.numpy as jnp
import numpy as np

N = 10000
E = 320000
D_IN = 128
D_HID = 128
D_OUT = 128


def gcn_conv(x, edge_index, W, b):
    n = x.shape[0]
    loops = jnp.arange(n, dtype=edge_index.dtype)
    src = jnp.concatenate([edge_index[0], loops])
    dst = jnp.concatenate([edge_index[1], loops])
    deg = jax.ops.segment_sum(jnp.ones(src.shape[0], dtype=x.dtype), dst, num_segments=n)
    dinv = jnp.where(deg > 0, jax.lax.rsqrt(jnp.maximum(deg, 1e-12)), 0.0)
    norm = dinv[src] * dinv[dst]
    h = x @ W
    msg = jnp.take(h, src, axis=0) * norm[:, None]
    out = jax.ops.segment_sum(msg, dst, num_segments=n)
    return out + b


def graph_norm(x, weight, bias, mean_scale, eps=1e-5):
    # Single-graph GraphNorm: out = weight * (x - mean_scale*mean) / sqrt(var+eps) + bias
    mean = jnp.mean(x, axis=0, keepdims=True)
    shifted = x - mean_scale * mean
    var = jnp.mean(shifted * shifted, axis=0, keepdims=True)
    return shifted / jnp.sqrt(var + eps) * weight + bias


def setup_inputs(seed: int = 0) -> dict:
    key = jax.random.key(seed)
    ks = jax.random.split(key, 10)
    x = jax.random.normal(ks[0], (N, D_IN), dtype=jnp.float32)
    edge_index = jax.random.randint(ks[1], (2, E), 0, N, dtype=jnp.int64)
    W1 = jax.random.normal(ks[2], (D_IN, D_HID), dtype=jnp.float32) * (1.0 / np.sqrt(D_IN))
    b1 = jnp.zeros((D_HID,), dtype=jnp.float32)
    g1w = jnp.ones((D_HID,), dtype=jnp.float32)
    g1b = jnp.zeros((D_HID,), dtype=jnp.float32)
    g1a = jnp.ones((D_HID,), dtype=jnp.float32)
    W2 = jax.random.normal(ks[3], (D_HID, D_HID), dtype=jnp.float32) * (1.0 / np.sqrt(D_HID))
    b2 = jnp.zeros((D_HID,), dtype=jnp.float32)
    g2w = jnp.ones((D_HID,), dtype=jnp.float32)
    g2b = jnp.zeros((D_HID,), dtype=jnp.float32)
    g2a = jnp.ones((D_HID,), dtype=jnp.float32)
    Wh = jax.random.normal(ks[4], (D_HID + D_IN, D_OUT), dtype=jnp.float32) * (1.0 / np.sqrt(D_HID + D_IN))
    bh = jnp.zeros((D_OUT,), dtype=jnp.float32)
    return {"x": x, "edge_index": edge_index, "W1": W1, "b1": b1, "g1w": g1w, "g1b": g1b, "g1a": g1a,
            "W2": W2, "b2": b2, "g2w": g2w, "g2b": g2b, "g2a": g2a, "Wh": Wh, "bh": bh}


def reference(x, edge_index, W1, b1, g1w, g1b, g1a, W2, b2, g2w, g2b, g2a, Wh, bh):
    x_in = x
    x1 = jax.nn.relu(graph_norm(gcn_conv(x, edge_index, W1, b1), g1w, g1b, g1a))
    x2 = jax.nn.relu(graph_norm(gcn_conv(x1, edge_index, W2, b2), g2w, g2b, g2a))
    cat = jnp.concatenate([x_in, x2], axis=-1)
    return cat @ Wh + bh

if __name__ == "__main__":
    import jax
    _d = setup_inputs()
    print(jax.jit(kernel)(*tuple(_d.values())))

</pallas_src>

<mosaic_0001>
#map = affine_map<(d0, d1) -> (0, 0, 0)>
module attributes {stable_mosaic.version = 14 : i64} {
  func.func @body(%arg0: i32, %arg1: i32, %arg2: memref<32x79x128xi32, #tpu.memory_space<hbm>>, %arg3: memref<2x10240x128xf32, #tpu.memory_space<hbm>>, %arg4: memref<79x128xi32, #tpu.memory_space<vmem>>, %arg5: memref<128x128xf32, #tpu.memory_space<vmem>>, %arg6: memref<10240x128xf32, #tpu.memory_space<vmem_shared>>) attributes {dimension_semantics = [#tpu.dimension_semantics<core_parallel>, #tpu.dimension_semantics<subcore_parallel>], iteration_bounds = array<i64: 2, 16>, scalar_prefetch = 0 : i64, scratch_operands = 3 : i64, tpu.core_type = #tpu.core_type<sc_vector_subcore>, window_params = [{transform_indices = #map}, {transform_indices = #map}]} {
    %mul3A = arith.constant 2 : i32
    %mul3A_0 = arith.muli %arg1, %mul3A : i32
    %add3A = arith.addi %mul3A_0, %arg0 : i32
    %scan3A = arith.constant 0 : i32
    %scan3A_1 = arith.constant 0 : i32
    %scan3A_2 = arith.constant 128 : i32
    %scan3A_3 = arith.addi %scan3A_1, %scan3A_2 : i32
    %scan3A_4 = arith.constant 1 : i32
    scf.for %scan3A_43 = %scan3A_1 to %scan3A_3 step %scan3A_4  : i32 {
      %broadcast_in_dim3A = arith.constant 0.000000e+00 : f32
      %broadcast_in_dim3A_44 = vector.broadcast %broadcast_in_dim3A : f32 to vector<16xf32>
      %swap3A = arith.index_cast %scan3A_43 : i32 to index
      %swap3A_45 = arith.constant 0 : index
      %swap3A_46 = tpu.vector_load %arg5[%swap3A, %swap3A_45] {strides = array<i32>} : memref<128x128xf32, #tpu.memory_space<vmem>>, vector<1x16xf32>,
      %swap3A_47 = vector.shape_cast %swap3A_46 : vector<1x16xf32> to vector<16xf32>
      %swap3A_48 = vector.shape_cast %broadcast_in_dim3A_44 : vector<16xf32> to vector<1x16xf32>
      tpu.vector_store %arg5[%swap3A, %swap3A_45], %swap3A_48 {strides = array<i32>} : memref<128x128xf32, #tpu.memory_space<vmem>>, vector<1x16xf32>,
      %broadcast_in_dim3A_49 = arith.constant 0.000000e+00 : f32
      %broadcast_in_dim3A_50 = vector.broadcast %broadcast_in_dim3A_49 : f32 to vector<16xf32>
      %swap3A_51 = arith.index_cast %scan3A_43 : i32 to index
      %swap3A_52 = arith.constant 16 : index
      %swap3A_53 = tpu.vector_load %arg5[%swap3A_51, %swap3A_52] {strides = array<i32>} : memref<128x128xf32, #tpu.memory_space<vmem>>, vector<1x16xf32>,
      %swap3A_54 = vector.shape_cast %swap3A_53 : vector<1x16xf32> to vector<16xf32>
      %swap3A_55 = vector.shape_cast %broadcast_in_dim3A_50 : vector<16xf32> to vector<1x16xf32>
      tpu.vector_store %arg5[%swap3A_51, %swap3A_52], %swap3A_55 {strides = array<i32>} : memref<128x128xf32, #tpu.memory_space<vmem>>, vector<1x16xf32>,
      %broadcast_in_dim3A_56 = arith.constant 0.000000e+00 : f32
      %broadcast_in_dim3A_57 = vector.broadcast %broadcast_in_dim3A_56 : f32 to vector<16xf32>
      %swap3A_58 = arith.index_cast %scan3A_43 : i32 to index
      %swap3A_59 = arith.constant 32 : index
      %swap3A_60 = tpu.vector_load %arg5[%swap3A_58, %swap3A_59] {strides = array<i32>} : memref<128x128xf32, #tpu.memory_space<vmem>>, vector<1x16xf32>,
      %swap3A_61 = vector.shape_cast %swap3A_60 : vector<1x16xf32> to vector<16xf32>
      %swap3A_62 = vector.shape_cast %broadcast_in_dim3A_57 : vector<16xf32> to vector<1x16xf32>
      tpu.vector_store %arg5[%swap3A_58, %swap3A_59], %swap3A_62 {strides = array<i32>} : memref<128x128xf32, #tpu.memory_space<vmem>>, vector<1x16xf32>,
      %broadcast_in_dim3A_63 = arith.constant 0.000000e+00 : f32
      %broadcast_in_dim3A_64 = vector.broadcast %broadcast_in_dim3A_63 : f32 to vector<16xf32>
      %swap3A_65 = arith.index_cast %scan3A_43 : i32 to index
      %swap3A_66 = arith.constant 48 : index
      %swap3A_67 = tpu.vector_load %arg5[%swap3A_65, %swap3A_66] {strides = array<i32>} : memref<128x128xf32, #tpu.memory_space<vmem>>, vector<1x16xf32>,
      %swap3A_68 = vector.shape_cast %swap3A_67 : vector<1x16xf32> to vector<16xf32>
      %swap3A_69 = vector.shape_cast %broadcast_in_dim3A_64 : vector<16xf32> to vector<1x16xf32>
      tpu.vector_store %arg5[%swap3A_65, %swap3A_66], %swap3A_69 {strides = array<i32>} : memref<128x128xf32, #tpu.memory_space<vmem>>, vector<1x16xf32>,
      %broadcast_in_dim3A_70 = arith.constant 0.000000e+00 : f32
      %broadcast_in_dim3A_71 = vector.broadcast %broadcast_in_dim3A_70 : f32 to vector<16xf32>
      %swap3A_72 = arith.index_cast %scan3A_43 : i32 to index
      %swap3A_73 = arith.constant 64 : index
      %swap3A_74 = tpu.vector_load %arg5[%swap3A_72, %swap3A_73] {strides = array<i32>} : memref<128x128xf32, #tpu.memory_space<vmem>>, vector<1x16xf32>,
      %swap3A_75 = vector.shape_cast %swap3A_74 : vector<1x16xf32> to vector<16xf32>
      %swap3A_76 = vector.shape_cast %broadcast_in_dim3A_71 : vector<16xf32> to vector<1x16xf32>
      tpu.vector_store %arg5[%swap3A_72, %swap3A_73], %swap3A_76 {strides = array<i32>} : memref<128x128xf32, #tpu.memory_space<vmem>>, vector<1x16xf32>,
      %broadcast_in_dim3A_77 = arith.constant 0.000000e+00 : f32
      %broadcast_in_dim3A_78 = vector.broadcast %broadcast_in_dim3A_77 : f32 to vector<16xf32>
      %swap3A_79 = arith.index_cast %scan3A_43 : i32 to index
      %swap3A_80 = arith.constant 80 : index
      %swap3A_81 = tpu.vector_load %arg5[%swap3A_79, %swap3A_80] {strides = array<i32>} : memref<128x128xf32, #tpu.memory_space<vmem>>, vector<1x16xf32>,
      %swap3A_82 = vector.shape_cast %swap3A_81 : vector<1x16xf32> to vector<16xf32>
      %swap3A_83 = vector.shape_cast %broadcast_in_dim3A_78 : vector<16xf32> to vector<1x16xf32>
      tpu.vector_store %arg5[%swap3A_79, %swap3A_80], %swap3A_83 {strides = array<i32>} : memref<128x128xf32, #tpu.memory_space<vmem>>, vector<1x16xf32>,
      %broadcast_in_dim3A_84 = arith.constant 0.000000e+00 : f32
      %broadcast_in_dim3A_85 = vector.broadcast %broadcast_in_dim3A_84 : f32 to vector<16xf32>
      %swap3A_86 = arith.index_cast %scan3A_43 : i32 to index
      %swap3A_87 = arith.constant 96 : index
      %swap3A_88 = tpu.vector_load %arg5[%swap3A_86, %swap3A_87] {strides = array<i32>} : memref<128x128xf32, #tpu.memory_space<vmem>>, vector<1x16xf32>,
      %swap3A_89 = vector.shape_cast %swap3A_88 : vector<1x16xf32> to vector<16xf32>
      %swap3A_90 = vector.shape_cast %broadcast_in_dim3A_85 : vector<16xf32> to vector<1x16xf32>
      tpu.vector_store %arg5[%swap3A_86, %swap3A_87], %swap3A_90 {strides = array<i32>} : memref<128x128xf32, #tpu.memory_space<vmem>>, vector<1x16xf32>,
      %broadcast_in_dim3A_91 = arith.constant 0.000000e+00 : f32
      %broadcast_in_dim3A_92 = vector.broadcast %broadcast_in_dim3A_91 : f32 to vector<16xf32>
      %swap3A_93 = arith.index_cast %scan3A_43 : i32 to index
      %swap3A_94 = arith.constant 112 : index
      %swap3A_95 = tpu.vector_load %arg5[%swap3A_93, %swap3A_94] {strides = array<i32>} : memref<128x128xf32, #tpu.memory_space<vmem>>, vector<1x16xf32>,
      %swap3A_96 = vector.shape_cast %swap3A_95 : vector<1x16xf32> to vector<16xf32>
      %swap3A_97 = vector.shape_cast %broadcast_in_dim3A_92 : vector<16xf32> to vector<1x16xf32>
      tpu.vector_store %arg5[%swap3A_93, %swap3A_94], %swap3A_97 {strides = array<i32>} : memref<128x128xf32, #tpu.memory_space<vmem>>, vector<1x16xf32>,
    }
    %scan3A_5 = arith.constant 128 : i32
    %mul3A_6 = arith.constant 640 : i32
    %mul3A_7 = arith.muli %arg1, %mul3A_6 : i32
    %add3A_8 = arith.constant 0 : i32
    %add3A_9 = arith.addi %mul3A_7, %add3A_8 : i32
    "tpu.region"() ({
      %run_scoped3A = tpu.sem_alloc : memref<!tpu.dma_semaphore, #tpu.memory_space<semaphore_mem>>
      %dma_start3A = arith.constant 0 : i32
      %dma_start3A_43 = tpu.memref_slice %arg6[%add3A_9, %dma_start3A] : memref<10240x128xf32, #tpu.memory_space<vmem_shared>> -> memref<128x128xf32, #tpu.memory_space<vmem_shared>>
      %dma_start3A_44 = arith.constant 0 : i32
      %dma_start3A_45 = tpu.memref_slice %arg6[%add3A_9, %dma_start3A_44] : memref<10240x128xf32, #tpu.memory_space<vmem_shared>> -> memref<128x128xf32, #tpu.memory_space<vmem_shared>>
      tpu.enqueue_dma source(%arg5 : memref<128x128xf32, #tpu.memory_space<vmem>>) target(%dma_start3A_45 : memref<128x128xf32, #tpu.memory_space<vmem_shared>>) target_semaphore(%run_scoped3A : memref<!tpu.dma_semaphore, #tpu.memory_space<semaphore_mem>>)
      %dma_wait3A = arith.constant 0 : i32
      %dma_wait3A_46 = tpu.memref_slice %arg6[%add3A_9, %dma_wait3A] : memref<10240x128xf32, #tpu.memory_space<vmem_shared>> -> memref<128x128xf32, #tpu.memory_space<vmem_shared>>
      %dma_wait3A_47 = arith.constant 0 : i32
      %dma_wait3A_48 = tpu.memref_slice %arg6[%add3A_9, %dma_wait3A_47] : memref<10240x128xf32, #tpu.memory_space<vmem_shared>> -> memref<128x128xf32, #tpu.memory_space<vmem_shared>>
      tpu.wait_dma2 semaphore(%run_scoped3A : memref<!tpu.dma_semaphore, #tpu.memory_space<semaphore_mem>>) src(%arg5 : memref<128x128xf32, #tpu.memory_space<vmem>>) dst(%dma_wait3A_48 : memref<128x128xf32, #tpu.memory_space<vmem_shared>>)
      tpu.yield
    }) : () -> ()
    %mul3A_10 = arith.constant 640 : i32
    %mul3A_11 = arith.muli %arg1, %mul3A_10 : i32
    %add3A_12 = arith.constant 128 : i32
    %add3A_13 = arith.addi %mul3A_11, %add3A_12 : i32
    "tpu.region"() ({
      %run_scoped3A = tpu.sem_alloc : memref<!tpu.dma_semaphore, #tpu.memory_space<semaphore_mem>>
      %dma_start3A = arith.constant 0 : i32
      %dma_start3A_43 = tpu.memref_slice %arg6[%add3A_13, %dma_start3A] : memref<10240x128xf32, #tpu.memory_space<vmem_shared>> -> memref<128x128xf32, #tpu.memory_space<vmem_shared>>
      %dma_start3A_44 = arith.constant 0 : i32
      %dma_start3A_45 = tpu.memref_slice %arg6[%add3A_13, %dma_start3A_44] : memref<10240x128xf32, #tpu.memory_space<vmem_shared>> -> memref<128x128xf32, #tpu.memory_space<vmem_shared>>
      tpu.enqueue_dma source(%arg5 : memref<128x128xf32, #tpu.memory_space<vmem>>) target(%dma_start3A_45 : memref<128x128xf32, #tpu.memory_space<vmem_shared>>) target_semaphore(%run_scoped3A : memref<!tpu.dma_semaphore, #tpu.memory_space<semaphore_mem>>)
      %dma_wait3A = arith.constant 0 : i32
      %dma_wait3A_46 = tpu.memref_slice %arg6[%add3A_13, %dma_wait3A] : memref<10240x128xf32, #tpu.memory_space<vmem_shared>> -> memref<128x128xf32, #tpu.memory_space<vmem_shared>>
      %dma_wait3A_47 = arith.constant 0 : i32
      %dma_wait3A_48 = tpu.memref_slice %arg6[%add3A_13, %dma_wait3A_47] : memref<10240x128xf32, #tpu.memory_space<vmem_shared>> -> memref<128x128xf32, #tpu.memory_space<vmem_shared>>
      tpu.wait_dma2 semaphore(%run_scoped3A : memref<!tpu.dma_semaphore, #tpu.memory_space<semaphore_mem>>) src(%arg5 : memref<128x128xf32, #tpu.memory_space<vmem>>) dst(%dma_wait3A_48 : memref<128x128xf32, #tpu.memory_space<vmem_shared>>)
      tpu.yield
    }) : () -> ()
    %mul3A_14 = arith.constant 640 : i32
    %mul3A_15 = arith.muli %arg1, %mul3A_14 : i32
    %add3A_16 = arith.constant 256 : i32
    %add3A_17 = arith.addi %mul3A_15, %add3A_16 : i32
    "tpu.region"() ({
      %run_scoped3A = tpu.sem_alloc : memref<!tpu.dma_semaphore, #tpu.memory_space<semaphore_mem>>
      %dma_start3A = arith.constant 0 : i32
      %dma_start3A_43 = tpu.memref_slice %arg6[%add3A_17, %dma_start3A] : memref<10240x128xf32, #tpu.memory_space<vmem_shared>> -> memref<128x128xf32, #tpu.memory_space<vmem_shared>>
      %dma_start3A_44 = arith.constant 0 : i32
      %dma_start3A_45 = tpu.memref_slice %arg6[%add3A_17, %dma_start3A_44] : memref<10240x128xf32, #tpu.memory_space<vmem_shared>> -> memref<128x128xf32, #tpu.memory_space<vmem_shared>>
      tpu.enqueue_dma source(%arg5 : memref<128x128xf32, #tpu.memory_space<vmem>>) target(%dma_start3A_45 : memref<128x128xf32, #tpu.memory_space<vmem_shared>>) target_semaphore(%run_scoped3A : memref<!tpu.dma_semaphore, #tpu.memory_space<semaphore_mem>>)
      %dma_wait3A = arith.constant 0 : i32
      %dma_wait3A_46 = tpu.memref_slice %arg6[%add3A_17, %dma_wait3A] : memref<10240x128xf32, #tpu.memory_space<vmem_shared>> -> memref<128x128xf32, #tpu.memory_space<vmem_shared>>
      %dma_wait3A_47 = arith.constant 0 : i32
      %dma_wait3A_48 = tpu.memref_slice %arg6[%add3A_17, %dma_wait3A_47] : memref<10240x128xf32, #tpu.memory_space<vmem_shared>> -> memref<128x128xf32, #tpu.memory_space<vmem_shared>>
      tpu.wait_dma2 semaphore(%run_scoped3A : memref<!tpu.dma_semaphore, #tpu.memory_space<semaphore_mem>>) src(%arg5 : memref<128x128xf32, #tpu.memory_space<vmem>>) dst(%dma_wait3A_48 : memref<128x128xf32, #tpu.memory_space<vmem_shared>>)
      tpu.yield
    }) : () -> ()
    %mul3A_18 = arith.constant 640 : i32
    %mul3A_19 = arith.muli %arg1, %mul3A_18 : i32
    %add3A_20 = arith.constant 384 : i32
    %add3A_21 = arith.addi %mul3A_19, %add3A_20 : i32
    "tpu.region"() ({
      %run_scoped3A = tpu.sem_alloc : memref<!tpu.dma_semaphore, #tpu.memory_space<semaphore_mem>>
      %dma_start3A = arith.constant 0 : i32
      %dma_start3A_43 = tpu.memref_slice %arg6[%add3A_21, %dma_start3A] : memref<10240x128xf32, #tpu.memory_space<vmem_shared>> -> memref<128x128xf32, #tpu.memory_space<vmem_shared>>
      %dma_start3A_44 = arith.constant 0 : i32
      %dma_start3A_45 = tpu.memref_slice %arg6[%add3A_21, %dma_start3A_44] : memref<10240x128xf32, #tpu.memory_space<vmem_shared>> -> memref<128x128xf32, #tpu.memory_space<vmem_shared>>
      tpu.enqueue_dma source(%arg5 : memref<128x128xf32, #tpu.memory_space<vmem>>) target(%dma_start3A_45 : memref<128x128xf32, #tpu.memory_space<vmem_shared>>) target_semaphore(%run_scoped3A : memref<!tpu.dma_semaphore, #tpu.memory_space<semaphore_mem>>)
      %dma_wait3A = arith.constant 0 : i32
      %dma_wait3A_46 = tpu.memref_slice %arg6[%add3A_21, %dma_wait3A] : memref<10240x128xf32, #tpu.memory_space<vmem_shared>> -> memref<128x128xf32, #tpu.memory_space<vmem_shared>>
      %dma_wait3A_47 = arith.constant 0 : i32
      %dma_wait3A_48 = tpu.memref_slice %arg6[%add3A_21, %dma_wait3A_47] : memref<10240x128xf32, #tpu.memory_space<vmem_shared>> -> memref<128x128xf32, #tpu.memory_space<vmem_shared>>
      tpu.wait_dma2 semaphore(%run_scoped3A : memref<!tpu.dma_semaphore, #tpu.memory_space<semaphore_mem>>) src(%arg5 : memref<128x128xf32, #tpu.memory_space<vmem>>) dst(%dma_wait3A_48 : memref<128x128xf32, #tpu.memory_space<vmem_shared>>)
      tpu.yield
    }) : () -> ()
    %mul3A_22 = arith.constant 640 : i32
    %mul3A_23 = arith.muli %arg1, %mul3A_22 : i32
    %add3A_24 = arith.constant 512 : i32
    %add3A_25 = arith.addi %mul3A_23, %add3A_24 : i32
    "tpu.region"() ({
      %run_scoped3A = tpu.sem_alloc : memref<!tpu.dma_semaphore, #tpu.memory_space<semaphore_mem>>
      %dma_start3A = arith.constant 0 : i32
      %dma_start3A_43 = tpu.memref_slice %arg6[%add3A_25, %dma_start3A] : memref<10240x128xf32, #tpu.memory_space<vmem_shared>> -> memref<128x128xf32, #tpu.memory_space<vmem_shared>>
      %dma_start3A_44 = arith.constant 0 : i32
      %dma_start3A_45 = tpu.memref_slice %arg6[%add3A_25, %dma_start3A_44] : memref<10240x128xf32, #tpu.memory_space<vmem_shared>> -> memref<128x128xf32, #tpu.memory_space<vmem_shared>>
      tpu.enqueue_dma source(%arg5 : memref<128x128xf32, #tpu.memory_space<vmem>>) target(%dma_start3A_45 : memref<128x128xf32, #tpu.memory_space<vmem_shared>>) target_semaphore(%run_scoped3A : memref<!tpu.dma_semaphore, #tpu.memory_space<semaphore_mem>>)
      %dma_wait3A = arith.constant 0 : i32
      %dma_wait3A_46 = tpu.memref_slice %arg6[%add3A_25, %dma_wait3A] : memref<10240x128xf32, #tpu.memory_space<vmem_shared>> -> memref<128x128xf32, #tpu.memory_space<vmem_shared>>
      %dma_wait3A_47 = arith.constant 0 : i32
      %dma_wait3A_48 = tpu.memref_slice %arg6[%add3A_25, %dma_wait3A_47] : memref<10240x128xf32, #tpu.memory_space<vmem_shared>> -> memref<128x128xf32, #tpu.memory_space<vmem_shared>>
      tpu.wait_dma2 semaphore(%run_scoped3A : memref<!tpu.dma_semaphore, #tpu.memory_space<semaphore_mem>>) src(%arg5 : memref<128x128xf32, #tpu.memory_space<vmem>>) dst(%dma_wait3A_48 : memref<128x128xf32, #tpu.memory_space<vmem_shared>>)
      tpu.yield
    }) : () -> ()
    %scan3A_26 = arith.constant 0 : i32
    %scan3A_27 = arith.constant 0 : i32
    %scan3A_28 = arith.constant 128 : i32
    %scan3A_29 = arith.addi %scan3A_27, %scan3A_28 : i32
    %scan3A_30 = arith.constant 1 : i32
    scf.for %scan3A_43 = %scan3A_27 to %scan3A_29 step %scan3A_30  : i32 {
      %broadcast_in_dim3A = arith.constant 1.000000e+00 : f32
      %broadcast_in_dim3A_44 = vector.broadcast %broadcast_in_dim3A : f32 to vector<16xf32>
      %swap3A = arith.index_cast %scan3A_43 : i32 to index
      %swap3A_45 = arith.constant 0 : index
      %swap3A_46 = tpu.vector_load %arg5[%swap3A, %swap3A_45] {strides = array<i32>} : memref<128x128xf32, #tpu.memory_space<vmem>>, vector<1x16xf32>,
      %swap3A_47 = vector.shape_cast %swap3A_46 : vector<1x16xf32> to vector<16xf32>
      %swap3A_48 = vector.shape_cast %broadcast_in_dim3A_44 : vector<16xf32> to vector<1x16xf32>
      tpu.vector_store %arg5[%swap3A, %swap3A_45], %swap3A_48 {strides = array<i32>} : memref<128x128xf32, #tpu.memory_space<vmem>>, vector<1x16xf32>,
      %broadcast_in_dim3A_49 = arith.constant 1.000000e+00 : f32
      %broadcast_in_dim3A_50 = vector.broadcast %broadcast_in_dim3A_49 : f32 to vector<16xf32>
      %swap3A_51 = arith.index_cast %scan3A_43 : i32 to index
      %swap3A_52 = arith.constant 16 : index
      %swap3A_53 = tpu.vector_load %arg5[%swap3A_51, %swap3A_52] {strides = array<i32>} : memref<128x128xf32, #tpu.memory_space<vmem>>, vector<1x16xf32>,
      %swap3A_54 = vector.shape_cast %swap3A_53 : vector<1x16xf32> to vector<16xf32>
      %swap3A_55 = vector.shape_cast %broadcast_in_dim3A_50 : vector<16xf32> to vector<1x16xf32>
      tpu.vector_store %arg5[%swap3A_51, %swap3A_52], %swap3A_55 {strides = array<i32>} : memref<128x128xf32, #tpu.memory_space<vmem>>, vector<1x16xf32>,
      %broadcast_in_dim3A_56 = arith.constant 1.000000e+00 : f32
      %broadcast_in_dim3A_57 = vector.broadcast %broadcast_in_dim3A_56 : f32 to vector<16xf32>
      %swap3A_58 = arith.index_cast %scan3A_43 : i32 to index
      %swap3A_59 = arith.constant 32 : index
      %swap3A_60 = tpu.vector_load %arg5[%swap3A_58, %swap3A_59] {strides = array<i32>} : memref<128x128xf32, #tpu.memory_space<vmem>>, vector<1x16xf32>,
      %swap3A_61 = vector.shape_cast %swap3A_60 : vector<1x16xf32> to vector<16xf32>
      %swap3A_62 = vector.shape_cast %broadcast_in_dim3A_57 : vector<16xf32> to vector<1x16xf32>
      tpu.vector_store %arg5[%swap3A_58, %swap3A_59], %swap3A_62 {strides = array<i32>} : memref<128x128xf32, #tpu.memory_space<vmem>>, vector<1x16xf32>,
      %broadcast_in_dim3A_63 = arith.constant 1.000000e+00 : f32
      %broadcast_in_dim3A_64 = vector.broadcast %broadcast_in_dim3A_63 : f32 to vector<16xf32>
      %swap3A_65 = arith.index_cast %scan3A_43 : i32 to index
      %swap3A_66 = arith.constant 48 : index
      %swap3A_67 = tpu.vector_load %arg5[%swap3A_65, %swap3A_66] {strides = array<i32>} : memref<128x128xf32, #tpu.memory_space<vmem>>, vector<1x16xf32>,
      %swap3A_68 = vector.shape_cast %swap3A_67 : vector<1x16xf32> to vector<16xf32>
      %swap3A_69 = vector.shape_cast %broadcast_in_dim3A_64 : vector<16xf32> to vector<1x16xf32>
      tpu.vector_store %arg5[%swap3A_65, %swap3A_66], %swap3A_69 {strides = array<i32>} : memref<128x128xf32, #tpu.memory_space<vmem>>, vector<1x16xf32>,
      %broadcast_in_dim3A_70 = arith.constant 1.000000e+00 : f32
      %broadcast_in_dim3A_71 = vector.broadcast %broadcast_in_dim3A_70 : f32 to vector<16xf32>
      %swap3A_72 = arith.index_cast %scan3A_43 : i32 to index
      %swap3A_73 = arith.constant 64 : index
      %swap3A_74 = tpu.vector_load %arg5[%swap3A_72, %swap3A_73] {strides = array<i32>} : memref<128x128xf32, #tpu.memory_space<vmem>>, vector<1x16xf32>,
      %swap3A_75 = vector.shape_cast %swap3A_74 : vector<1x16xf32> to vector<16xf32>
      %swap3A_76 = vector.shape_cast %broadcast_in_dim3A_71 : vector<16xf32> to vector<1x16xf32>
      tpu.vector_store %arg5[%swap3A_72, %swap3A_73], %swap3A_76 {strides = array<i32>} : memref<128x128xf32, #tpu.memory_space<vmem>>, vector<1x16xf32>,
      %broadcast_in_dim3A_77 = arith.constant 1.000000e+00 : f32
      %broadcast_in_dim3A_78 = vector.broadcast %broadcast_in_dim3A_77 : f32 to vector<16xf32>
      %swap3A_79 = arith.index_cast %scan3A_43 : i32 to index
      %swap3A_80 = arith.constant 80 : index
      %swap3A_81 = tpu.vector_load %arg5[%swap3A_79, %swap3A_80] {strides = array<i32>} : memref<128x128xf32, #tpu.memory_space<vmem>>, vector<1x16xf32>,
      %swap3A_82 = vector.shape_cast %swap3A_81 : vector<1x16xf32> to vector<16xf32>
      %swap3A_83 = vector.shape_cast %broadcast_in_dim3A_78 : vector<16xf32> to vector<1x16xf32>
      tpu.vector_store %arg5[%swap3A_79, %swap3A_80], %swap3A_83 {strides = array<i32>} : memref<128x128xf32, #tpu.memory_space<vmem>>, vector<1x16xf32>,
      %broadcast_in_dim3A_84 = arith.constant 1.000000e+00 : f32
      %broadcast_in_dim3A_85 = vector.broadcast %broadcast_in_dim3A_84 : f32 to vector<16xf32>
      %swap3A_86 = arith.index_cast %scan3A_43 : i32 to index
      %swap3A_87 = arith.constant 96 : index
      %swap3A_88 = tpu.vector_load %arg5[%swap3A_86, %swap3A_87] {strides = array<i32>} : memref<128x128xf32, #tpu.memory_space<vmem>>, vector<1x16xf32>,
      %swap3A_89 = vector.shape_cast %swap3A_88 : vector<1x16xf32> to vector<16xf32>
      %swap3A_90 = vector.shape_cast %broadcast_in_dim3A_85 : vector<16xf32> to vector<1x16xf32>
      tpu.vector_store %arg5[%swap3A_86, %swap3A_87], %swap3A_90 {strides = array<i32>} : memref<128x128xf32, #tpu.memory_space<vmem>>, vector<1x16xf32>,
      %broadcast_in_dim3A_91 = arith.constant 1.000000e+00 : f32
      %broadcast_in_dim3A_92 = vector.broadcast %broadcast_in_dim3A_91 : f32 to vector<16xf32>
      %swap3A_93 = arith.index_cast %scan3A_43 : i32 to index
      %swap3A_94 = arith.constant 112 : index
      %swap3A_95 = tpu.vector_load %arg5[%swap3A_93, %swap3A_94] {strides = array<i32>} : memref<128x128xf32, #tpu.memory_space<vmem>>, vector<1x16xf32>,
      %swap3A_96 = vector.shape_cast %swap3A_95 : vector<1x16xf32> to vector<16xf32>
      %swap3A_97 = vector.shape_cast %broadcast_in_dim3A_92 : vector<16xf32> to vector<1x16xf32>
      tpu.vector_store %arg5[%swap3A_93, %swap3A_94], %swap3A_97 {strides = array<i32>} : memref<128x128xf32, #tpu.memory_space<vmem>>, vector<1x16xf32>,
    }
    %scan3A_31 = arith.constant 128 : i32
    "tpu.region"() ({
      %run_scoped3A = tpu.sem_alloc : memref<!tpu.dma_semaphore, #tpu.memory_space<semaphore_mem>>
      %dma_start3A = arith.constant 0 : i32
      %dma_start3A_43 = arith.constant 0 : i32
      %dma_start3A_44 = tpu.memref_slice %arg2[%add3A, %dma_start3A, %dma_start3A_43] : memref<32x79x128xi32, #tpu.memory_space<hbm>> -> memref<1x79x128xi32, #tpu.memory_space<hbm>>
      %dma_start3A_45 = tpu.memref_squeeze %dma_start3A_44 : memref<1x79x128xi32, #tpu.memory_space<hbm>> -> memref<79x128xi32, #tpu.memory_space<hbm>>
      %dma_start3A_46 = arith.constant 0 : i32
      %dma_start3A_47 = arith.constant 0 : i32
      %dma_start3A_48 = tpu.memref_slice %arg2[%add3A, %dma_start3A_46, %dma_start3A_47] : memref<32x79x128xi32, #tpu.memory_space<hbm>> -> memref<1x79x128xi32, #tpu.memory_space<hbm>>
      %dma_start3A_49 = tpu.memref_squeeze %dma_start3A_48 : memref<1x79x128xi32, #tpu.memory_space<hbm>> -> memref<79x128xi32, #tpu.memory_space<hbm>>
      tpu.enqueue_dma source(%dma_start3A_49 : memref<79x128xi32, #tpu.memory_space<hbm>>) target(%arg4 : memref<79x128xi32, #tpu.memory_space<vmem>>) target_semaphore(%run_scoped3A : memref<!tpu.dma_semaphore, #tpu.memory_space<semaphore_mem>>)
      %dma_wait3A = arith.constant 0 : i32
      %dma_wait3A_50 = arith.constant 0 : i32
      %dma_wait3A_51 = tpu.memref_slice %arg2[%add3A, %dma_wait3A, %dma_wait3A_50] : memref<32x79x128xi32, #tpu.memory_space<hbm>> -> memref<1x79x128xi32, #tpu.memory_space<hbm>>
      %dma_wait3A_52 = tpu.memref_squeeze %dma_wait3A_51 : memref<1x79x128xi32, #tpu.memory_space<hbm>> -> memref<79x128xi32, #tpu.memory_space<hbm>>
      %dma_wait3A_53 = arith.constant 0 : i32
      %dma_wait3A_54 = arith.constant 0 : i32
      %dma_wait3A_55 = tpu.memref_slice %arg2[%add3A, %dma_wait3A_53, %dma_wait3A_54] : memref<32x79x128xi32, #tpu.memory_space<hbm>> -> memref<1x79x128xi32, #tpu.memory_space<hbm>>
      %dma_wait3A_56 = tpu.memref_squeeze %dma_wait3A_55 : memref<1x79x128xi32, #tpu.memory_space<hbm>> -> memref<79x128xi32, #tpu.memory_space<hbm>>
      tpu.wait_dma2 semaphore(%run_scoped3A : memref<!tpu.dma_semaphore, #tpu.memory_space<semaphore_mem>>) src(%dma_wait3A_56 : memref<79x128xi32, #tpu.memory_space<hbm>>) dst(%arg4 : memref<79x128xi32, #tpu.memory_space<vmem>>)
      tpu.yield
    }) : () -> ()
    %barrier3A = arith.constant 0 : index
    tpu.barrier barrier_id(%barrier3A)
    %scan3A_32 = arith.constant 0 : i32
    %scan3A_33 = arith.constant 0 : i32
    %scan3A_34 = arith.constant 79 : i32
    %scan3A_35 = arith.addi %scan3A_33, %scan3A_34 : i32
    %scan3A_36 = arith.constant 1 : i32
    scf.for %scan3A_43 = %scan3A_33 to %scan3A_35 step %scan3A_36  : i32 {
      "tpu.region"() ({
        %run_scoped3A = tpu.sem_alloc : memref<!tpu.dma_semaphore, #tpu.memory_space<semaphore_mem>>
        %dma_start3A = arith.constant 0 : i32
        %dma_start3A_44 = tpu.memref_slice %arg4[%scan3A_43, %dma_start3A] : memref<79x128xi32, #tpu.memory_space<vmem>> -> memref<1x128xi32, #tpu.memory_space<vmem>>
        %dma_start3A_45 = tpu.memref_squeeze %dma_start3A_44 : memref<1x128xi32, #tpu.memory_space<vmem>> -> memref<128xi32, #tpu.memory_space<vmem>>
        %dma_start3A_46 = arith.constant 0 : i32
        %dma_start3A_47 = arith.constant 0 : i32
        %dma_start3A_48 = tpu.memref_slice %arg6[%dma_start3A_46, %dma_start3A_47] : memref<10240x128xf32, #tpu.memory_space<vmem_shared>> -> memref<10240x128xf32, #tpu.memory_space<vmem_shared>>
        tpu.enqueue_indirect_dma source(%arg5 : memref<128x128xf32, #tpu.memory_space<vmem>>) target(%dma_start3A_48 : memref<10240x128xf32, #tpu.memory_space<vmem_shared>>) offsets(%dma_start3A_45 : memref<128xi32, #tpu.memory_space<vmem>>) semaphore(%run_scoped3A : memref<!tpu.dma_semaphore, #tpu.memory_space<semaphore_mem>>) {add = true}
        %dma_wait3A = arith.constant 0 : i32
        %dma_wait3A_49 = tpu.memref_slice %arg4[%scan3A_43, %dma_wait3A] : memref<79x128xi32, #tpu.memory_space<vmem>> -> memref<1x128xi32, #tpu.memory_space<vmem>>
        %dma_wait3A_50 = tpu.memref_squeeze %dma_wait3A_49 : memref<1x128xi32, #tpu.memory_space<vmem>> -> memref<128xi32, #tpu.memory_space<vmem>>
        %dma_wait3A_51 = arith.constant 0 : i32
        %dma_wait3A_52 = arith.constant 0 : i32
        %dma_wait3A_53 = tpu.memref_slice %arg6[%dma_wait3A_51, %dma_wait3A_52] : memref<10240x128xf32, #tpu.memory_space<vmem_shared>> -> memref<10240x128xf32, #tpu.memory_space<vmem_shared>>
        tpu.wait_indirect_dma semaphore(%run_scoped3A : memref<!tpu.dma_semaphore, #tpu.memory_space<semaphore_mem>>) src(%arg5 : memref<128x128xf32, #tpu.memory_space<vmem>>) dst(%dma_wait3A_53 : memref<10240x128xf32, #tpu.memory_space<vmem_shared>>)
        tpu.yield
      }) : () -> ()
    }
    %scan3A_37 = arith.constant 79 : i32
    %barrier3A_38 = arith.constant 0 : index
    tpu.barrier barrier_id(%barrier3A_38)
    %mul3A_39 = arith.constant 640 : i32
    %mul3A_40 = arith.muli %arg1, %mul3A_39 : i32
    %mul3A_41 = arith.constant 640 : i32
    %mul3A_42 = arith.muli %arg1, %mul3A_41 : i32
    "tpu.region"() ({
      %run_scoped3A = tpu.sem_alloc : memref<!tpu.dma_semaphore, #tpu.memory_space<semaphore_mem>>
      %dma_start3A = arith.constant 0 : i32
      %dma_start3A_43 = tpu.memref_slice %arg3[%arg0, %mul3A_42, %dma_start3A] : memref<2x10240x128xf32, #tpu.memory_space<hbm>> -> memref<1x640x128xf32, #tpu.memory_space<hbm>>
      %dma_start3A_44 = tpu.memref_squeeze %dma_start3A_43 : memref<1x640x128xf32, #tpu.memory_space<hbm>> -> memref<640x128xf32, #tpu.memory_space<hbm>>
      %dma_start3A_45 = arith.constant 0 : i32
      %dma_start3A_46 = tpu.memref_slice %arg6[%mul3A_40, %dma_start3A_45] : memref<10240x128xf32, #tpu.memory_space<vmem_shared>> -> memref<640x128xf32, #tpu.memory_space<vmem_shared>>
      tpu.enqueue_dma source(%dma_start3A_46 : memref<640x128xf32, #tpu.memory_space<vmem_shared>>) target(%dma_start3A_44 : memref<640x128xf32, #tpu.memory_space<hbm>>) target_semaphore(%run_scoped3A : memref<!tpu.dma_semaphore, #tpu.memory_space<semaphore_mem>>)
      %dma_wait3A = arith.constant 0 : i32
      %dma_wait3A_47 = tpu.memref_slice %arg3[%arg0, %mul3A_42, %dma_wait3A] : memref<2x10240x128xf32, #tpu.memory_space<hbm>> -> memref<1x640x128xf32, #tpu.memory_space<hbm>>
      %dma_wait3A_48 = tpu.memref_squeeze %dma_wait3A_47 : memref<1x640x128xf32, #tpu.memory_space<hbm>> -> memref<640x128xf32, #tpu.memory_space<hbm>>
      %dma_wait3A_49 = arith.constant 0 : i32
      %dma_wait3A_50 = tpu.memref_slice %arg6[%mul3A_40, %dma_wait3A_49] : memref<10240x128xf32, #tpu.memory_space<vmem_shared>> -> memref<640x128xf32, #tpu.memory_space<vmem_shared>>
      tpu.wait_dma2 semaphore(%run_scoped3A : memref<!tpu.dma_semaphore, #tpu.memory_space<semaphore_mem>>) src(%dma_wait3A_50 : memref<640x128xf32, #tpu.memory_space<vmem_shared>>) dst(%dma_wait3A_48 : memref<640x128xf32, #tpu.memory_space<hbm>>)
      tpu.yield
    }) : () -> ()
    return
  }
}

#map = affine_map<(d0, d1) -> (0, 0)>
#map1 = affine_map<(d0, d1) -> (0, 0, 0)>
module attributes {stable_mosaic.version = 14 : i64} {
  func.func @body(%arg0: i32, %arg1: i32, %arg2: memref<10000x128xf32, #tpu.memory_space<hbm>>, %arg3: memref<32x79x128xi32, #tpu.memory_space<hbm>>, %arg4: memref<32x79x128xi32, #tpu.memory_space<hbm>>, %arg5: memref<2x10240x128xf32, #tpu.memory_space<hbm>>, %arg6: memref<79x128xi32, #tpu.memory_space<vmem>>, %arg7: memref<79x128xi32, #tpu.memory_space<vmem>>, %arg8: memref<128x128xf32, #tpu.memory_space<vmem>>, %arg9: memref<10240x128xf32, #tpu.memory_space<vmem_shared>>, %arg10: memref<!tpu.dma_semaphore, #tpu.memory_space<semaphore_mem>>) attributes {dimension_semantics = [#tpu.dimension_semantics<core_parallel>, #tpu.dimension_semantics<subcore_parallel>], iteration_bounds = array<i64: 2, 16>, scalar_prefetch = 0 : i64, scratch_operands = 5 : i64, tpu.core_type = #tpu.core_type<sc_vector_subcore>, window_params = [{transform_indices = #map}, {transform_indices = #map1}, {transform_indices = #map1}, {transform_indices = #map1}]} {
    %mul3A = arith.constant 2 : i32
    %mul3A_0 = arith.muli %arg1, %mul3A : i32
    %add3A = arith.addi %mul3A_0, %arg0 : i32
    %scan3A = arith.constant 0 : i32
    %scan3A_1 = arith.constant 0 : i32
    %scan3A_2 = arith.constant 1024 : i32
    %scan3A_3 = arith.addi %scan3A_1, %scan3A_2 : i32
    %scan3A_4 = arith.constant 1 : i32
    scf.for %scan3A_37 = %scan3A_1 to %scan3A_3 step %scan3A_4  : i32 {
      %broadcast_in_dim3A = arith.constant 0.000000e+00 : f32
      %broadcast_in_dim3A_38 = vector.broadcast %broadcast_in_dim3A : f32 to vector<16xf32>
      %jit3A = arith.constant 8 : i32
      %div3A = arith.divsi %scan3A_37, %jit3A : i32
      %sign3A = arith.constant 0 : i32
      %sign3A_39 = arith.cmpi sgt, %scan3A_37, %sign3A : i32
      %sign3A_40 = arith.extui %sign3A_39 : i1 to i32
      %sign3A_41 = arith.constant 0 : i32
      %sign3A_42 = arith.cmpi slt, %scan3A_37, %sign3A_41 : i32
      %sign3A_43 = arith.extui %sign3A_42 : i1 to i32
      %sign3A_44 = arith.subi %sign3A_40, %sign3A_43 : i32
      %sign3A_45 = arith.constant 0 : i32
      %sign3A_46 = arith.cmpi sgt, %jit3A, %sign3A_45 : i32
      %sign3A_47 = arith.extui %sign3A_46 : i1 to i32
      %sign3A_48 = arith.constant 0 : i32
      %sign3A_49 = arith.cmpi slt, %jit3A, %sign3A_48 : i32
      %sign3A_50 = arith.extui %sign3A_49 : i1 to i32
      %sign3A_51 = arith.subi %sign3A_47, %sign3A_50 : i32
      %ne3A = arith.cmpi ne, %sign3A_44, %sign3A_51 : i32
      %rem3A = arith.remsi %scan3A_37, %jit3A : i32
      %ne3A_52 = arith.constant 0 : i32
      %ne3A_53 = arith.cmpi ne, %rem3A, %ne3A_52 : i32
      %and3A = arith.andi %ne3A, %ne3A_53 : i1
      %sub3A = arith.constant 1 : i32
      %sub3A_54 = arith.subi %div3A, %sub3A : i32
      %select_n3A = arith.select %and3A, %sub3A_54, %div3A : i32
      %jit3A_55 = arith.constant 8 : i32
      %eq3A = arith.constant 0 : i32
      %eq3A_56 = arith.cmpi eq, %jit3A_55, %eq3A : i32
      %jit3A_57 = arith.constant 1 : i32
      %select_n3A_58 = arith.select %eq3A_56, %jit3A_57, %jit3A_55 : i32
      %rem3A_59 = arith.remsi %scan3A_37, %select_n3A_58 : i32
      %ne3A_60 = arith.constant 0 : i32
      %ne3A_61 = arith.cmpi ne, %rem3A_59, %ne3A_60 : i32
      %lt3A = arith.constant 0 : i32
      %lt3A_62 = arith.cmpi slt, %rem3A_59, %lt3A : i32
      %lt3A_63 = arith.constant 0 : i32
      %lt3A_64 = arith.cmpi slt, %select_n3A_58, %lt3A_63 : i32
      %ne3A_65 = arith.xori %lt3A_62, %lt3A_64 : i1
      %and3A_66 = arith.andi %ne3A_65, %ne3A_61 : i1
      %add3A_67 = arith.addi %rem3A_59, %select_n3A_58 : i32
      %select_n3A_68 = arith.select %and3A_66, %add3A_67, %rem3A_59 : i32
      %mul3A_69 = arith.constant 16 : i32
      %mul3A_70 = arith.muli %select_n3A_68, %mul3A_69 : i32
      %swap3A = arith.index_cast %select_n3A : i32 to index
      %swap3A_71 = arith.index_cast %mul3A_70 : i32 to index
      %swap3A_72 = tpu.vector_load %arg8[%swap3A, %swap3A_71] {strides = array<i32>} : memref<128x128xf32, #tpu.memory_space<vmem>>, vector<1x16xf32>,
      %swap3A_73 = vector.shape_cast %swap3A_72 : vector<1x16xf32> to vector<16xf32>
      %swap3A_74 = vector.shape_cast %broadcast_in_dim3A_38 : vector<16xf32> to vector<1x16xf32>
      tpu.vector_store %arg8[%swap3A, %swap3A_71], %swap3A_74 {strides = array<i32>} : memref<128x128xf32, #tpu.memory_space<vmem>>, vector<1x16xf32>,
    }
    %scan3A_5 = arith.constant 1024 : i32
    %mul3A_6 = arith.constant 640 : i32
    %mul3A_7 = arith.muli %arg1, %mul3A_6 : i32
    %add3A_8 = arith.constant 0 : i32
    %add3A_9 = arith.addi %mul3A_7, %add3A_8 : i32
    "tpu.region"() ({
      %run_scoped3A = tpu.sem_alloc : memref<!tpu.dma_semaphore, #tpu.memory_space<semaphore_mem>>
      %dma_start3A = arith.constant 0 : i32
      %dma_start3A_37 = tpu.memref_slice %arg9[%add3A_9, %dma_start3A] : memref<10240x128xf32, #tpu.memory_space<vmem_shared>> -> memref<128x128xf32, #tpu.memory_space<vmem_shared>>
      %dma_start3A_38 = arith.constant 0 : i32
      %dma_start3A_39 = tpu.memref_slice %arg9[%add3A_9, %dma_start3A_38] : memref<10240x128xf32, #tpu.memory_space<vmem_shared>> -> memref<128x128xf32, #tpu.memory_space<vmem_shared>>
      tpu.enqueue_dma source(%arg8 : memref<128x128xf32, #tpu.memory_space<vmem>>) target(%dma_start3A_39 : memref<128x128xf32, #tpu.memory_space<vmem_shared>>) target_semaphore(%run_scoped3A : memref<!tpu.dma_semaphore, #tpu.memory_space<semaphore_mem>>)
      %dma_wait3A = arith.constant 0 : i32
      %dma_wait3A_40 = tpu.memref_slice %arg9[%add3A_9, %dma_wait3A] : memref<10240x128xf32, #tpu.memory_space<vmem_shared>> -> memref<128x128xf32, #tpu.memory_space<vmem_shared>>
      %dma_wait3A_41 = arith.constant 0 : i32
      %dma_wait3A_42 = tpu.memref_slice %arg9[%add3A_9, %dma_wait3A_41] : memref<10240x128xf32, #tpu.memory_space<vmem_shared>> -> memref<128x128xf32, #tpu.memory_space<vmem_shared>>
      tpu.wait_dma2 semaphore(%run_scoped3A : memref<!tpu.dma_semaphore, #tpu.memory_space<semaphore_mem>>) src(%arg8 : memref<128x128xf32, #tpu.memory_space<vmem>>) dst(%dma_wait3A_42 : memref<128x128xf32, #tpu.memory_space<vmem_shared>>)
      tpu.yield
    }) : () -> ()
    %mul3A_10 = arith.constant 640 : i32
    %mul3A_11 = arith.muli %arg1, %mul3A_10 : i32
    %add3A_12 = arith.constant 128 : i32
    %add3A_13 = arith.addi %mul3A_11, %add3A_12 : i32
    "tpu.region"() ({
      %run_scoped3A = tpu.sem_alloc : memref<!tpu.dma_semaphore, #tpu.memory_space<semaphore_mem>>
      %dma_start3A = arith.constant 0 : i32
      %dma_start3A_37 = tpu.memref_slice %arg9[%add3A_13, %dma_start3A] : memref<10240x128xf32, #tpu.memory_space<vmem_shared>> -> memref<128x128xf32, #tpu.memory_space<vmem_shared>>
      %dma_start3A_38 = arith.constant 0 : i32
      %dma_start3A_39 = tpu.memref_slice %arg9[%add3A_13, %dma_start3A_38] : memref<10240x128xf32, #tpu.memory_space<vmem_shared>> -> memref<128x128xf32, #tpu.memory_space<vmem_shared>>
      tpu.enqueue_dma source(%arg8 : memref<128x128xf32, #tpu.memory_space<vmem>>) target(%dma_start3A_39 : memref<128x128xf32, #tpu.memory_space<vmem_shared>>) target_semaphore(%run_scoped3A : memref<!tpu.dma_semaphore, #tpu.memory_space<semaphore_mem>>)
      %dma_wait3A = arith.constant 0 : i32
      %dma_wait3A_40 = tpu.memref_slice %arg9[%add3A_13, %dma_wait3A] : memref<10240x128xf32, #tpu.memory_space<vmem_shared>> -> memref<128x128xf32, #tpu.memory_space<vmem_shared>>
      %dma_wait3A_41 = arith.constant 0 : i32
      %dma_wait3A_42 = tpu.memref_slice %arg9[%add3A_13, %dma_wait3A_41] : memref<10240x128xf32, #tpu.memory_space<vmem_shared>> -> memref<128x128xf32, #tpu.memory_space<vmem_shared>>
      tpu.wait_dma2 semaphore(%run_scoped3A : memref<!tpu.dma_semaphore, #tpu.memory_space<semaphore_mem>>) src(%arg8 : memref<128x128xf32, #tpu.memory_space<vmem>>) dst(%dma_wait3A_42 : memref<128x128xf32, #tpu.memory_space<vmem_shared>>)
      tpu.yield
    }) : () -> ()
    %mul3A_14 = arith.constant 640 : i32
    %mul3A_15 = arith.muli %arg1, %mul3A_14 : i32
    %add3A_16 = arith.constant 256 : i32
    %add3A_17 = arith.addi %mul3A_15, %add3A_16 : i32
    "tpu.region"() ({
      %run_scoped3A = tpu.sem_alloc : memref<!tpu.dma_semaphore, #tpu.memory_space<semaphore_mem>>
      %dma_start3A = arith.constant 0 : i32
      %dma_start3A_37 = tpu.memref_slice %arg9[%add3A_17, %dma_start3A] : memref<10240x128xf32, #tpu.memory_space<vmem_shared>> -> memref<128x128xf32, #tpu.memory_space<vmem_shared>>
      %dma_start3A_38 = arith.constant 0 : i32
      %dma_start3A_39 = tpu.memref_slice %arg9[%add3A_17, %dma_start3A_38] : memref<10240x128xf32, #tpu.memory_space<vmem_shared>> -> memref<128x128xf32, #tpu.memory_space<vmem_shared>>
      tpu.enqueue_dma source(%arg8 : memref<128x128xf32, #tpu.memory_space<vmem>>) target(%dma_start3A_39 : memref<128x128xf32, #tpu.memory_space<vmem_shared>>) target_semaphore(%run_scoped3A : memref<!tpu.dma_semaphore, #tpu.memory_space<semaphore_mem>>)
      %dma_wait3A = arith.constant 0 : i32
      %dma_wait3A_40 = tpu.memref_slice %arg9[%add3A_17, %dma_wait3A] : memref<10240x128xf32, #tpu.memory_space<vmem_shared>> -> memref<128x128xf32, #tpu.memory_space<vmem_shared>>
      %dma_wait3A_41 = arith.constant 0 : i32
      %dma_wait3A_42 = tpu.memref_slice %arg9[%add3A_17, %dma_wait3A_41] : memref<10240x128xf32, #tpu.memory_space<vmem_shared>> -> memref<128x128xf32, #tpu.memory_space<vmem_shared>>
      tpu.wait_dma2 semaphore(%run_scoped3A : memref<!tpu.dma_semaphore, #tpu.memory_space<semaphore_mem>>) src(%arg8 : memref<128x128xf32, #tpu.memory_space<vmem>>) dst(%dma_wait3A_42 : memref<128x128xf32, #tpu.memory_space<vmem_shared>>)
      tpu.yield
    }) : () -> ()
    %mul3A_18 = arith.constant 640 : i32
    %mul3A_19 = arith.muli %arg1, %mul3A_18 : i32
    %add3A_20 = arith.constant 384 : i32
    %add3A_21 = arith.addi %mul3A_19, %add3A_20 : i32
    "tpu.region"() ({
      %run_scoped3A = tpu.sem_alloc : memref<!tpu.dma_semaphore, #tpu.memory_space<semaphore_mem>>
      %dma_start3A = arith.constant 0 : i32
      %dma_start3A_37 = tpu.memref_slice %arg9[%add3A_21, %dma_start3A] : memref<10240x128xf32, #tpu.memory_space<vmem_shared>> -> memref<128x128xf32, #tpu.memory_space<vmem_shared>>
      %dma_start3A_38 = arith.constant 0 : i32
      %dma_start3A_39 = tpu.memref_slice %arg9[%add3A_21, %dma_start3A_38] : memref<10240x128xf32, #tpu.memory_space<vmem_shared>> -> memref<128x128xf32, #tpu.memory_space<vmem_shared>>
      tpu.enqueue_dma source(%arg8 : memref<128x128xf32, #tpu.memory_space<vmem>>) target(%dma_start3A_39 : memref<128x128xf32, #tpu.memory_space<vmem_shared>>) target_semaphore(%run_scoped3A : memref<!tpu.dma_semaphore, #tpu.memory_space<semaphore_mem>>)
      %dma_wait3A = arith.constant 0 : i32
      %dma_wait3A_40 = tpu.memref_slice %arg9[%add3A_21, %dma_wait3A] : memref<10240x128xf32, #tpu.memory_space<vmem_shared>> -> memref<128x128xf32, #tpu.memory_space<vmem_shared>>
      %dma_wait3A_41 = arith.constant 0 : i32
      %dma_wait3A_42 = tpu.memref_slice %arg9[%add3A_21, %dma_wait3A_41] : memref<10240x128xf32, #tpu.memory_space<vmem_shared>> -> memref<128x128xf32, #tpu.memory_space<vmem_shared>>
      tpu.wait_dma2 semaphore(%run_scoped3A : memref<!tpu.dma_semaphore, #tpu.memory_space<semaphore_mem>>) src(%arg8 : memref<128x128xf32, #tpu.memory_space<vmem>>) dst(%dma_wait3A_42 : memref<128x128xf32, #tpu.memory_space<vmem_shared>>)
      tpu.yield
    }) : () -> ()
    %mul3A_22 = arith.constant 640 : i32
    %mul3A_23 = arith.muli %arg1, %mul3A_22 : i32
    %add3A_24 = arith.constant 512 : i32
    %add3A_25 = arith.addi %mul3A_23, %add3A_24 : i32
    "tpu.region"() ({
      %run_scoped3A = tpu.sem_alloc : memref<!tpu.dma_semaphore, #tpu.memory_space<semaphore_mem>>
      %dma_start3A = arith.constant 0 : i32
      %dma_start3A_37 = tpu.memref_slice %arg9[%add3A_25, %dma_start3A] : memref<10240x128xf32, #tpu.memory_space<vmem_shared>> -> memref<128x128xf32, #tpu.memory_space<vmem_shared>>
      %dma_start3A_38 = arith.constant 0 : i32
      %dma_start3A_39 = tpu.memref_slice %arg9[%add3A_25, %dma_start3A_38] : memref<10240x128xf32, #tpu.memory_space<vmem_shared>> -> memref<128x128xf32, #tpu.memory_space<vmem_shared>>
      tpu.enqueue_dma source(%arg8 : memref<128x128xf32, #tpu.memory_space<vmem>>) target(%dma_start3A_39 : memref<128x128xf32, #tpu.memory_space<vmem_shared>>) target_semaphore(%run_scoped3A : memref<!tpu.dma_semaphore, #tpu.memory_space<semaphore_mem>>)
      %dma_wait3A = arith.constant 0 : i32
      %dma_wait3A_40 = tpu.memref_slice %arg9[%add3A_25, %dma_wait3A] : memref<10240x128xf32, #tpu.memory_space<vmem_shared>> -> memref<128x128xf32, #tpu.memory_space<vmem_shared>>
      %dma_wait3A_41 = arith.constant 0 : i32
      %dma_wait3A_42 = tpu.memref_slice %arg9[%add3A_25, %dma_wait3A_41] : memref<10240x128xf32, #tpu.memory_space<vmem_shared>> -> memref<128x128xf32, #tpu.memory_space<vmem_shared>>
      tpu.wait_dma2 semaphore(%run_scoped3A : memref<!tpu.dma_semaphore, #tpu.memory_space<semaphore_mem>>) src(%arg8 : memref<128x128xf32, #tpu.memory_space<vmem>>) dst(%dma_wait3A_42 : memref<128x128xf32, #tpu.memory_space<vmem_shared>>)
      tpu.yield
    }) : () -> ()
    "tpu.region"() ({
      %run_scoped3A = tpu.sem_alloc : memref<!tpu.dma_semaphore, #tpu.memory_space<semaphore_mem>>
      %dma_start3A = arith.constant 0 : i32
      %dma_start3A_37 = arith.constant 0 : i32
      %dma_start3A_38 = tpu.memref_slice %arg3[%add3A, %dma_start3A, %dma_start3A_37] : memref<32x79x128xi32, #tpu.memory_space<hbm>> -> memref<1x79x128xi32, #tpu.memory_space<hbm>>
      %dma_start3A_39 = tpu.memref_squeeze %dma_start3A_38 : memref<1x79x128xi32, #tpu.memory_space<hbm>> -> memref<79x128xi32, #tpu.memory_space<hbm>>
      %dma_start3A_40 = arith.constant 0 : i32
      %dma_start3A_41 = arith.constant 0 : i32
      %dma_start3A_42 = tpu.memref_slice %arg3[%add3A, %dma_start3A_40, %dma_start3A_41] : memref<32x79x128xi32, #tpu.memory_space<hbm>> -> memref<1x79x128xi32, #tpu.memory_space<hbm>>
      %dma_start3A_43 = tpu.memref_squeeze %dma_start3A_42 : memref<1x79x128xi32, #tpu.memory_space<hbm>> -> memref<79x128xi32, #tpu.memory_space<hbm>>
      tpu.enqueue_dma source(%dma_start3A_43 : memref<79x128xi32, #tpu.memory_space<hbm>>) target(%arg6 : memref<79x128xi32, #tpu.memory_space<vmem>>) target_semaphore(%run_scoped3A : memref<!tpu.dma_semaphore, #tpu.memory_space<semaphore_mem>>)
      %dma_wait3A = arith.constant 0 : i32
      %dma_wait3A_44 = arith.constant 0 : i32
      %dma_wait3A_45 = tpu.memref_slice %arg3[%add3A, %dma_wait3A, %dma_wait3A_44] : memref<32x79x128xi32, #tpu.memory_space<hbm>> -> memref<1x79x128xi32, #tpu.memory_space<hbm>>
      %dma_wait3A_46 = tpu.memref_squeeze %dma_wait3A_45 : memref<1x79x128xi32, #tpu.memory_space<hbm>> -> memref<79x128xi32, #tpu.memory_space<hbm>>
      %dma_wait3A_47 = arith.constant 0 : i32
      %dma_wait3A_48 = arith.constant 0 : i32
      %dma_wait3A_49 = tpu.memref_slice %arg3[%add3A, %dma_wait3A_47, %dma_wait3A_48] : memref<32x79x128xi32, #tpu.memory_space<hbm>> -> memref<1x79x128xi32, #tpu.memory_space<hbm>>
      %dma_wait3A_50 = tpu.memref_squeeze %dma_wait3A_49 : memref<1x79x128xi32, #tpu.memory_space<hbm>> -> memref<79x128xi32, #tpu.memory_space<hbm>>
      tpu.wait_dma2 semaphore(%run_scoped3A : memref<!tpu.dma_semaphore, #tpu.memory_space<semaphore_mem>>) src(%dma_wait3A_50 : memref<79x128xi32, #tpu.memory_space<hbm>>) dst(%arg6 : memref<79x128xi32, #tpu.memory_space<vmem>>)
      tpu.yield
    }) : () -> ()
    "tpu.region"() ({
      %run_scoped3A = tpu.sem_alloc : memref<!tpu.dma_semaphore, #tpu.memory_space<semaphore_mem>>
      %dma_start3A = arith.constant 0 : i32
      %dma_start3A_37 = arith.constant 0 : i32
      %dma_start3A_38 = tpu.memref_slice %arg4[%add3A, %dma_start3A, %dma_start3A_37] : memref<32x79x128xi32, #tpu.memory_space<hbm>> -> memref<1x79x128xi32, #tpu.memory_space<hbm>>
      %dma_start3A_39 = tpu.memref_squeeze %dma_start3A_38 : memref<1x79x128xi32, #tpu.memory_space<hbm>> -> memref<79x128xi32, #tpu.memory_space<hbm>>
      %dma_start3A_40 = arith.constant 0 : i32
      %dma_start3A_41 = arith.constant 0 : i32
      %dma_start3A_42 = tpu.memref_slice %arg4[%add3A, %dma_start3A_40, %dma_start3A_41] : memref<32x79x128xi32, #tpu.memory_space<hbm>> -> memref<1x79x128xi32, #tpu.memory_space<hbm>>
      %dma_start3A_43 = tpu.memref_squeeze %dma_start3A_42 : memref<1x79x128xi32, #tpu.memory_space<hbm>> -> memref<79x128xi32, #tpu.memory_space<hbm>>
      tpu.enqueue_dma source(%dma_start3A_43 : memref<79x128xi32, #tpu.memory_space<hbm>>) target(%arg7 : memref<79x128xi32, #tpu.memory_space<vmem>>) target_semaphore(%run_scoped3A : memref<!tpu.dma_semaphore, #tpu.memory_space<semaphore_mem>>)
      %dma_wait3A = arith.constant 0 : i32
      %dma_wait3A_44 = arith.constant 0 : i32
      %dma_wait3A_45 = tpu.memref_slice %arg4[%add3A, %dma_wait3A, %dma_wait3A_44] : memref<32x79x128xi32, #tpu.memory_space<hbm>> -> memref<1x79x128xi32, #tpu.memory_space<hbm>>
      %dma_wait3A_46 = tpu.memref_squeeze %dma_wait3A_45 : memref<1x79x128xi32, #tpu.memory_space<hbm>> -> memref<79x128xi32, #tpu.memory_space<hbm>>
      %dma_wait3A_47 = arith.constant 0 : i32
      %dma_wait3A_48 = arith.constant 0 : i32
      %dma_wait3A_49 = tpu.memref_slice %arg4[%add3A, %dma_wait3A_47, %dma_wait3A_48] : memref<32x79x128xi32, #tpu.memory_space<hbm>> -> memref<1x79x128xi32, #tpu.memory_space<hbm>>
      %dma_wait3A_50 = tpu.memref_squeeze %dma_wait3A_49 : memref<1x79x128xi32, #tpu.memory_space<hbm>> -> memref<79x128xi32, #tpu.memory_space<hbm>>
      tpu.wait_dma2 semaphore(%run_scoped3A : memref<!tpu.dma_semaphore, #tpu.memory_space<semaphore_mem>>) src(%dma_wait3A_50 : memref<79x128xi32, #tpu.memory_space<hbm>>) dst(%arg7 : memref<79x128xi32, #tpu.memory_space<vmem>>)
      tpu.yield
    }) : () -> ()
    %barrier3A = arith.constant 0 : index
    tpu.barrier barrier_id(%barrier3A)
    %scan3A_26 = arith.constant 0 : i32
    %scan3A_27 = arith.constant 0 : i32
    %scan3A_28 = arith.constant 79 : i32
    %scan3A_29 = arith.addi %scan3A_27, %scan3A_28 : i32
    %scan3A_30 = arith.constant 1 : i32
    scf.for %scan3A_37 = %scan3A_27 to %scan3A_29 step %scan3A_30  : i32 {
      %dma_start3A = arith.constant 0 : i32
      %dma_start3A_38 = tpu.memref_slice %arg6[%scan3A_37, %dma_start3A] : memref<79x128xi32, #tpu.memory_space<vmem>> -> memref<1x128xi32, #tpu.memory_space<vmem>>
      %dma_start3A_39 = tpu.memref_squeeze %dma_start3A_38 : memref<1x128xi32, #tpu.memory_space<vmem>> -> memref<128xi32, #tpu.memory_space<vmem>>
      %dma_start3A_40 = arith.constant 0 : i32
      %dma_start3A_41 = arith.constant 0 : i32
      %dma_start3A_42 = tpu.memref_slice %arg2[%dma_start3A_40, %dma_start3A_41] : memref<10000x128xf32, #tpu.memory_space<hbm>> -> memref<10000x128xf32, #tpu.memory_space<hbm>>
      tpu.enqueue_indirect_dma source(%dma_start3A_42 : memref<10000x128xf32, #tpu.memory_space<hbm>>) target(%arg8 : memref<128x128xf32, #tpu.memory_space<vmem>>) offsets(%dma_start3A_39 : memref<128xi32, #tpu.memory_space<vmem>>) semaphore(%arg10 : memref<!tpu.dma_semaphore, #tpu.memory_space<semaphore_mem>>)
      %dma_wait3A = arith.constant 0 : i32
      %dma_wait3A_43 = tpu.memref_slice %arg6[%scan3A_37, %dma_wait3A] : memref<79x128xi32, #tpu.memory_space<vmem>> -> memref<1x128xi32, #tpu.memory_space<vmem>>
      %dma_wait3A_44 = tpu.memref_squeeze %dma_wait3A_43 : memref<1x128xi32, #tpu.memory_space<vmem>> -> memref<128xi32, #tpu.memory_space<vmem>>
      %dma_wait3A_45 = arith.constant 0 : i32
      %dma_wait3A_46 = arith.constant 0 : i32
      %dma_wait3A_47 = tpu.memref_slice %arg2[%dma_wait3A_45, %dma_wait3A_46] : memref<10000x128xf32, #tpu.memory_space<hbm>> -> memref<10000x128xf32, #tpu.memory_space<hbm>>
      tpu.wait_indirect_dma semaphore(%arg10 : memref<!tpu.dma_semaphore, #tpu.memory_space<semaphore_mem>>) src(%dma_wait3A_47 : memref<10000x128xf32, #tpu.memory_space<hbm>>) dst(%arg8 : memref<128x128xf32, #tpu.memory_space<vmem>>)
      "tpu.region"() ({
        %run_scoped3A = tpu.sem_alloc : memref<!tpu.dma_semaphore, #tpu.memory_space<semaphore_mem>>
        %dma_start3A_48 = arith.constant 0 : i32
        %dma_start3A_49 = tpu.memref_slice %arg7[%scan3A_37, %dma_start3A_48] : memref<79x128xi32, #tpu.memory_space<vmem>> -> memref<1x128xi32, #tpu.memory_space<vmem>>
        %dma_start3A_50 = tpu.memref_squeeze %dma_start3A_49 : memref<1x128xi32, #tpu.memory_space<vmem>> -> memref<128xi32, #tpu.memory_space<vmem>>
        %dma_start3A_51 = arith.constant 0 : i32
        %dma_start3A_52 = arith.constant 0 : i32
        %dma_start3A_53 = tpu.memref_slice %arg9[%dma_start3A_51, %dma_start3A_52] : memref<10240x128xf32, #tpu.memory_space<vmem_shared>> -> memref<10240x128xf32, #tpu.memory_space<vmem_shared>>
        tpu.enqueue_indirect_dma source(%arg8 : memref<128x128xf32, #tpu.memory_space<vmem>>) target(%dma_start3A_53 : memref<10240x128xf32, #tpu.memory_space<vmem_shared>>) offsets(%dma_start3A_50 : memref<128xi32, #tpu.memory_space<vmem>>) semaphore(%run_scoped3A : memref<!tpu.dma_semaphore, #tpu.memory_space<semaphore_mem>>) {add = true}
        %dma_wait3A_54 = arith.constant 0 : i32
        %dma_wait3A_55 = tpu.memref_slice %arg7[%scan3A_37, %dma_wait3A_54] : memref<79x128xi32, #tpu.memory_space<vmem>> -> memref<1x128xi32, #tpu.memory_space<vmem>>
        %dma_wait3A_56 = tpu.memref_squeeze %dma_wait3A_55 : memref<1x128xi32, #tpu.memory_space<vmem>> -> memref<128xi32, #tpu.memory_space<vmem>>
        %dma_wait3A_57 = arith.constant 0 : i32
        %dma_wait3A_58 = arith.constant 0 : i32
        %dma_wait3A_59 = tpu.memref_slice %arg9[%dma_wait3A_57, %dma_wait3A_58] : memref<10240x128xf32, #tpu.memory_space<vmem_shared>> -> memref<10240x128xf32, #tpu.memory_space<vmem_shared>>
        tpu.wait_indirect_dma semaphore(%run_scoped3A : memref<!tpu.dma_semaphore, #tpu.memory_space<semaphore_mem>>) src(%arg8 : memref<128x128xf32, #tpu.memory_space<vmem>>) dst(%dma_wait3A_59 : memref<10240x128xf32, #tpu.memory_space<vmem_shared>>)
        tpu.yield
      }) : () -> ()
    }
    %scan3A_31 = arith.constant 79 : i32
    %barrier3A_32 = arith.constant 0 : index
    tpu.barrier barrier_id(%barrier3A_32)
    %mul3A_33 = arith.constant 640 : i32
    %mul3A_34 = arith.muli %arg1, %mul3A_33 : i32
    %mul3A_35 = arith.constant 640 : i32
    %mul3A_36 = arith.muli %arg1, %mul3A_35 : i32
    "tpu.region"() ({
      %run_scoped3A = tpu.sem_alloc : memref<!tpu.dma_semaphore, #tpu.memory_space<semaphore_mem>>
      %dma_start3A = arith.constant 0 : i32
      %dma_start3A_37 = tpu.memref_slice %arg5[%arg0, %mul3A_36, %dma_start3A] : memref<2x10240x128xf32, #tpu.memory_space<hbm>> -> memref<1x640x128xf32, #tpu.memory_space<hbm>>
      %dma_start3A_38 = tpu.memref_squeeze %dma_start3A_37 : memref<1x640x128xf32, #tpu.memory_space<hbm>> -> memref<640x128xf32, #tpu.memory_space<hbm>>
      %dma_start3A_39 = arith.constant 0 : i32
      %dma_start3A_40 = tpu.memref_slice %arg9[%mul3A_34, %dma_start3A_39] : memref<10240x128xf32, #tpu.memory_space<vmem_shared>> -> memref<640x128xf32, #tpu.memory_space<vmem_shared>>
      tpu.enqueue_dma source(%dma_start3A_40 : memref<640x128xf32, #tpu.memory_space<vmem_shared>>) target(%dma_start3A_38 : memref<640x128xf32, #tpu.memory_space<hbm>>) target_semaphore(%run_scoped3A : memref<!tpu.dma_semaphore, #tpu.memory_space<semaphore_mem>>)
      %dma_wait3A = arith.constant 0 : i32
      %dma_wait3A_41 = tpu.memref_slice %arg5[%arg0, %mul3A_36, %dma_wait3A] : memref<2x10240x128xf32, #tpu.memory_space<hbm>> -> memref<1x640x128xf32, #tpu.memory_space<hbm>>
      %dma_wait3A_42 = tpu.memref_squeeze %dma_wait3A_41 : memref<1x640x128xf32, #tpu.memory_space<hbm>> -> memref<640x128xf32, #tpu.memory_space<hbm>>
      %dma_wait3A_43 = arith.constant 0 : i32
      %dma_wait3A_44 = tpu.memref_slice %arg9[%mul3A_34, %dma_wait3A_43] : memref<10240x128xf32, #tpu.memory_space<vmem_shared>> -> memref<640x128xf32, #tpu.memory_space<vmem_shared>>
      tpu.wait_dma2 semaphore(%run_scoped3A : memref<!tpu.dma_semaphore, #tpu.memory_space<semaphore_mem>>) src(%dma_wait3A_44 : memref<640x128xf32, #tpu.memory_space<vmem_shared>>) dst(%dma_wait3A_42 : memref<640x128xf32, #tpu.memory_space<hbm>>)
      tpu.yield
    }) : () -> ()
    return
  }
}

#map = affine_map<(d0, d1) -> (0, 0)>
#map1 = affine_map<(d0, d1) -> (0, 0, 0)>
module attributes {stable_mosaic.version = 14 : i64} {
  func.func @body(%arg0: i32, %arg1: i32, %arg2: memref<10000x128xf32, #tpu.memory_space<hbm>>, %arg3: memref<32x79x128xi32, #tpu.memory_space<hbm>>, %arg4: memref<32x79x128xi32, #tpu.memory_space<hbm>>, %arg5: memref<2x10240x128xf32, #tpu.memory_space<hbm>>, %arg6: memref<79x128xi32, #tpu.memory_space<vmem>>, %arg7: memref<79x128xi32, #tpu.memory_space<vmem>>, %arg8: memref<128x128xf32, #tpu.memory_space<vmem>>, %arg9: memref<10240x128xf32, #tpu.memory_space<vmem_shared>>, %arg10: memref<!tpu.dma_semaphore, #tpu.memory_space<semaphore_mem>>) attributes {dimension_semantics = [#tpu.dimension_semantics<core_parallel>, #tpu.dimension_semantics<subcore_parallel>], iteration_bounds = array<i64: 2, 16>, scalar_prefetch = 0 : i64, scratch_operands = 5 : i64, tpu.core_type = #tpu.core_type<sc_vector_subcore>, window_params = [{transform_indices = #map}, {transform_indices = #map1}, {transform_indices = #map1}, {transform_indices = #map1}]} {
    %mul3A = arith.constant 2 : i32
    %mul3A_0 = arith.muli %arg1, %mul3A : i32
    %add3A = arith.addi %mul3A_0, %arg0 : i32
    %scan3A = arith.constant 0 : i32
    %scan3A_1 = arith.constant 0 : i32
    %scan3A_2 = arith.constant 1024 : i32
    %scan3A_3 = arith.addi %scan3A_1, %scan3A_2 : i32
    %scan3A_4 = arith.constant 1 : i32
    scf.for %scan3A_37 = %scan3A_1 to %scan3A_3 step %scan3A_4  : i32 {
      %broadcast_in_dim3A = arith.constant 0.000000e+00 : f32
      %broadcast_in_dim3A_38 = vector.broadcast %broadcast_in_dim3A : f32 to vector<16xf32>
      %jit3A = arith.constant 8 : i32
      %div3A = arith.divsi %scan3A_37, %jit3A : i32
      %sign3A = arith.constant 0 : i32
      %sign3A_39 = arith.cmpi sgt, %scan3A_37, %sign3A : i32
      %sign3A_40 = arith.extui %sign3A_39 : i1 to i32
      %sign3A_41 = arith.constant 0 : i32
      %sign3A_42 = arith.cmpi slt, %scan3A_37, %sign3A_41 : i32
      %sign3A_43 = arith.extui %sign3A_42 : i1 to i32
      %sign3A_44 = arith.subi %sign3A_40, %sign3A_43 : i32
      %sign3A_45 = arith.constant 0 : i32
      %sign3A_46 = arith.cmpi sgt, %jit3A, %sign3A_45 : i32
      %sign3A_47 = arith.extui %sign3A_46 : i1 to i32
      %sign3A_48 = arith.constant 0 : i32
      %sign3A_49 = arith.cmpi slt, %jit3A, %sign3A_48 : i32
      %sign3A_50 = arith.extui %sign3A_49 : i1 to i32
      %sign3A_51 = arith.subi %sign3A_47, %sign3A_50 : i32
      %ne3A = arith.cmpi ne, %sign3A_44, %sign3A_51 : i32
      %rem3A = arith.remsi %scan3A_37, %jit3A : i32
      %ne3A_52 = arith.constant 0 : i32
      %ne3A_53 = arith.cmpi ne, %rem3A, %ne3A_52 : i32
      %and3A = arith.andi %ne3A, %ne3A_53 : i1
      %sub3A = arith.constant 1 : i32
      %sub3A_54 = arith.subi %div3A, %sub3A : i32
      %select_n3A = arith.select %and3A, %sub3A_54, %div3A : i32
      %jit3A_55 = arith.constant 8 : i32
      %eq3A = arith.constant 0 : i32
      %eq3A_56 = arith.cmpi eq, %jit3A_55, %eq3A : i32
      %jit3A_57 = arith.constant 1 : i32
      %select_n3A_58 = arith.select %eq3A_56, %jit3A_57, %jit3A_55 : i32
      %rem3A_59 = arith.remsi %scan3A_37, %select_n3A_58 : i32
      %ne3A_60 = arith.constant 0 : i32
      %ne3A_61 = arith.cmpi ne, %rem3A_59, %ne3A_60 : i32
      %lt3A = arith.constant 0 : i32
      %lt3A_62 = arith.cmpi slt, %rem3A_59, %lt3A : i32
      %lt3A_63 = arith.constant 0 : i32
      %lt3A_64 = arith.cmpi slt, %select_n3A_58, %lt3A_63 : i32
      %ne3A_65 = arith.xori %lt3A_62, %lt3A_64 : i1
      %and3A_66 = arith.andi %ne3A_65, %ne3A_61 : i1
      %add3A_67 = arith.addi %rem3A_59, %select_n3A_58 : i32
      %select_n3A_68 = arith.select %and3A_66, %add3A_67, %rem3A_59 : i32
      %mul3A_69 = arith.constant 16 : i32
      %mul3A_70 = arith.muli %select_n3A_68, %mul3A_69 : i32
      %swap3A = arith.index_cast %select_n3A : i32 to index
      %swap3A_71 = arith.index_cast %mul3A_70 : i32 to index
      %swap3A_72 = tpu.vector_load %arg8[%swap3A, %swap3A_71] {strides = array<i32>} : memref<128x128xf32, #tpu.memory_space<vmem>>, vector<1x16xf32>,
      %swap3A_73 = vector.shape_cast %swap3A_72 : vector<1x16xf32> to vector<16xf32>
      %swap3A_74 = vector.shape_cast %broadcast_in_dim3A_38 : vector<16xf32> to vector<1x16xf32>
      tpu.vector_store %arg8[%swap3A, %swap3A_71], %swap3A_74 {strides = array<i32>} : memref<128x128xf32, #tpu.memory_space<vmem>>, vector<1x16xf32>,
    }
    %scan3A_5 = arith.constant 1024 : i32
    %mul3A_6 = arith.constant 640 : i32
    %mul3A_7 = arith.muli %arg1, %mul3A_6 : i32
    %add3A_8 = arith.constant 0 : i32
    %add3A_9 = arith.addi %mul3A_7, %add3A_8 : i32
    "tpu.region"() ({
      %run_scoped3A = tpu.sem_alloc : memref<!tpu.dma_semaphore, #tpu.memory_space<semaphore_mem>>
      %dma_start3A = arith.constant 0 : i32
      %dma_start3A_37 = tpu.memref_slice %arg9[%add3A_9, %dma_start3A] : memref<10240x128xf32, #tpu.memory_space<vmem_shared>> -> memref<128x128xf32, #tpu.memory_space<vmem_shared>>
      %dma_start3A_38 = arith.constant 0 : i32
      %dma_start3A_39 = tpu.memref_slice %arg9[%add3A_9, %dma_start3A_38] : memref<10240x128xf32, #tpu.memory_space<vmem_shared>> -> memref<128x128xf32, #tpu.memory_space<vmem_shared>>
      tpu.enqueue_dma source(%arg8 : memref<128x128xf32, #tpu.memory_space<vmem>>) target(%dma_start3A_39 : memref<128x128xf32, #tpu.memory_space<vmem_shared>>) target_semaphore(%run_scoped3A : memref<!tpu.dma_semaphore, #tpu.memory_space<semaphore_mem>>)
      %dma_wait3A = arith.constant 0 : i32
      %dma_wait3A_40 = tpu.memref_slice %arg9[%add3A_9, %dma_wait3A] : memref<10240x128xf32, #tpu.memory_space<vmem_shared>> -> memref<128x128xf32, #tpu.memory_space<vmem_shared>>
      %dma_wait3A_41 = arith.constant 0 : i32
      %dma_wait3A_42 = tpu.memref_slice %arg9[%add3A_9, %dma_wait3A_41] : memref<10240x128xf32, #tpu.memory_space<vmem_shared>> -> memref<128x128xf32, #tpu.memory_space<vmem_shared>>
      tpu.wait_dma2 semaphore(%run_scoped3A : memref<!tpu.dma_semaphore, #tpu.memory_space<semaphore_mem>>) src(%arg8 : memref<128x128xf32, #tpu.memory_space<vmem>>) dst(%dma_wait3A_42 : memref<128x128xf32, #tpu.memory_space<vmem_shared>>)
      tpu.yield
    }) : () -> ()
    %mul3A_10 = arith.constant 640 : i32
    %mul3A_11 = arith.muli %arg1, %mul3A_10 : i32
    %add3A_12 = arith.constant 128 : i32
    %add3A_13 = arith.addi %mul3A_11, %add3A_12 : i32
    "tpu.region"() ({
      %run_scoped3A = tpu.sem_alloc : memref<!tpu.dma_semaphore, #tpu.memory_space<semaphore_mem>>
      %dma_start3A = arith.constant 0 : i32
      %dma_start3A_37 = tpu.memref_slice %arg9[%add3A_13, %dma_start3A] : memref<10240x128xf32, #tpu.memory_space<vmem_shared>> -> memref<128x128xf32, #tpu.memory_space<vmem_shared>>
      %dma_start3A_38 = arith.constant 0 : i32
      %dma_start3A_39 = tpu.memref_slice %arg9[%add3A_13, %dma_start3A_38] : memref<10240x128xf32, #tpu.memory_space<vmem_shared>> -> memref<128x128xf32, #tpu.memory_space<vmem_shared>>
      tpu.enqueue_dma source(%arg8 : memref<128x128xf32, #tpu.memory_space<vmem>>) target(%dma_start3A_39 : memref<128x128xf32, #tpu.memory_space<vmem_shared>>) target_semaphore(%run_scoped3A : memref<!tpu.dma_semaphore, #tpu.memory_space<semaphore_mem>>)
      %dma_wait3A = arith.constant 0 : i32
      %dma_wait3A_40 = tpu.memref_slice %arg9[%add3A_13, %dma_wait3A] : memref<10240x128xf32, #tpu.memory_space<vmem_shared>> -> memref<128x128xf32, #tpu.memory_space<vmem_shared>>
      %dma_wait3A_41 = arith.constant 0 : i32
      %dma_wait3A_42 = tpu.memref_slice %arg9[%add3A_13, %dma_wait3A_41] : memref<10240x128xf32, #tpu.memory_space<vmem_shared>> -> memref<128x128xf32, #tpu.memory_space<vmem_shared>>
      tpu.wait_dma2 semaphore(%run_scoped3A : memref<!tpu.dma_semaphore, #tpu.memory_space<semaphore_mem>>) src(%arg8 : memref<128x128xf32, #tpu.memory_space<vmem>>) dst(%dma_wait3A_42 : memref<128x128xf32, #tpu.memory_space<vmem_shared>>)
      tpu.yield
    }) : () -> ()
    %mul3A_14 = arith.constant 640 : i32
    %mul3A_15 = arith.muli %arg1, %mul3A_14 : i32
    %add3A_16 = arith.constant 256 : i32
    %add3A_17 = arith.addi %mul3A_15, %add3A_16 : i32
    "tpu.region"() ({
      %run_scoped3A = tpu.sem_alloc : memref<!tpu.dma_semaphore, #tpu.memory_space<semaphore_mem>>
      %dma_start3A = arith.constant 0 : i32
      %dma_start3A_37 = tpu.memref_slice %arg9[%add3A_17, %dma_start3A] : memref<10240x128xf32, #tpu.memory_space<vmem_shared>> -> memref<128x128xf32, #tpu.memory_space<vmem_shared>>
      %dma_start3A_38 = arith.constant 0 : i32
      %dma_start3A_39 = tpu.memref_slice %arg9[%add3A_17, %dma_start3A_38] : memref<10240x128xf32, #tpu.memory_space<vmem_shared>> -> memref<128x128xf32, #tpu.memory_space<vmem_shared>>
      tpu.enqueue_dma source(%arg8 : memref<128x128xf32, #tpu.memory_space<vmem>>) target(%dma_start3A_39 : memref<128x128xf32, #tpu.memory_space<vmem_shared>>) target_semaphore(%run_scoped3A : memref<!tpu.dma_semaphore, #tpu.memory_space<semaphore_mem>>)
      %dma_wait3A = arith.constant 0 : i32
      %dma_wait3A_40 = tpu.memref_slice %arg9[%add3A_17, %dma_wait3A] : memref<10240x128xf32, #tpu.memory_space<vmem_shared>> -> memref<128x128xf32, #tpu.memory_space<vmem_shared>>
      %dma_wait3A_41 = arith.constant 0 : i32
      %dma_wait3A_42 = tpu.memref_slice %arg9[%add3A_17, %dma_wait3A_41] : memref<10240x128xf32, #tpu.memory_space<vmem_shared>> -> memref<128x128xf32, #tpu.memory_space<vmem_shared>>
      tpu.wait_dma2 semaphore(%run_scoped3A : memref<!tpu.dma_semaphore, #tpu.memory_space<semaphore_mem>>) src(%arg8 : memref<128x128xf32, #tpu.memory_space<vmem>>) dst(%dma_wait3A_42 : memref<128x128xf32, #tpu.memory_space<vmem_shared>>)
      tpu.yield
    }) : () -> ()
    %mul3A_18 = arith.constant 640 : i32
    %mul3A_19 = arith.muli %arg1, %mul3A_18 : i32
    %add3A_20 = arith.constant 384 : i32
    %add3A_21 = arith.addi %mul3A_19, %add3A_20 : i32
    "tpu.region"() ({
      %run_scoped3A = tpu.sem_alloc : memref<!tpu.dma_semaphore, #tpu.memory_space<semaphore_mem>>
      %dma_start3A = arith.constant 0 : i32
      %dma_start3A_37 = tpu.memref_slice %arg9[%add3A_21, %dma_start3A] : memref<10240x128xf32, #tpu.memory_space<vmem_shared>> -> memref<128x128xf32, #tpu.memory_space<vmem_shared>>
      %dma_start3A_38 = arith.constant 0 : i32
      %dma_start3A_39 = tpu.memref_slice %arg9[%add3A_21, %dma_start3A_38] : memref<10240x128xf32, #tpu.memory_space<vmem_shared>> -> memref<128x128xf32, #tpu.memory_space<vmem_shared>>
      tpu.enqueue_dma source(%arg8 : memref<128x128xf32, #tpu.memory_space<vmem>>) target(%dma_start3A_39 : memref<128x128xf32, #tpu.memory_space<vmem_shared>>) target_semaphore(%run_scoped3A : memref<!tpu.dma_semaphore, #tpu.memory_space<semaphore_mem>>)
      %dma_wait3A = arith.constant 0 : i32
      %dma_wait3A_40 = tpu.memref_slice %arg9[%add3A_21, %dma_wait3A] : memref<10240x128xf32, #tpu.memory_space<vmem_shared>> -> memref<128x128xf32, #tpu.memory_space<vmem_shared>>
      %dma_wait3A_41 = arith.constant 0 : i32
      %dma_wait3A_42 = tpu.memref_slice %arg9[%add3A_21, %dma_wait3A_41] : memref<10240x128xf32, #tpu.memory_space<vmem_shared>> -> memref<128x128xf32, #tpu.memory_space<vmem_shared>>
      tpu.wait_dma2 semaphore(%run_scoped3A : memref<!tpu.dma_semaphore, #tpu.memory_space<semaphore_mem>>) src(%arg8 : memref<128x128xf32, #tpu.memory_space<vmem>>) dst(%dma_wait3A_42 : memref<128x128xf32, #tpu.memory_space<vmem_shared>>)
      tpu.yield
    }) : () -> ()
    %mul3A_22 = arith.constant 640 : i32
    %mul3A_23 = arith.muli %arg1, %mul3A_22 : i32
    %add3A_24 = arith.constant 512 : i32
    %add3A_25 = arith.addi %mul3A_23, %add3A_24 : i32
    "tpu.region"() ({
      %run_scoped3A = tpu.sem_alloc : memref<!tpu.dma_semaphore, #tpu.memory_space<semaphore_mem>>
      %dma_start3A = arith.constant 0 : i32
      %dma_start3A_37 = tpu.memref_slice %arg9[%add3A_25, %dma_start3A] : memref<10240x128xf32, #tpu.memory_space<vmem_shared>> -> memref<128x128xf32, #tpu.memory_space<vmem_shared>>
      %dma_start3A_38 = arith.constant 0 : i32
      %dma_start3A_39 = tpu.memref_slice %arg9[%add3A_25, %dma_start3A_38] : memref<10240x128xf32, #tpu.memory_space<vmem_shared>> -> memref<128x128xf32, #tpu.memory_space<vmem_shared>>
      tpu.enqueue_dma source(%arg8 : memref<128x128xf32, #tpu.memory_space<vmem>>) target(%dma_start3A_39 : memref<128x128xf32, #tpu.memory_space<vmem_shared>>) target_semaphore(%run_scoped3A : memref<!tpu.dma_semaphore, #tpu.memory_space<semaphore_mem>>)
      %dma_wait3A = arith.constant 0 : i32
      %dma_wait3A_40 = tpu.memref_slice %arg9[%add3A_25, %dma_wait3A] : memref<10240x128xf32, #tpu.memory_space<vmem_shared>> -> memref<128x128xf32, #tpu.memory_space<vmem_shared>>
      %dma_wait3A_41 = arith.constant 0 : i32
      %dma_wait3A_42 = tpu.memref_slice %arg9[%add3A_25, %dma_wait3A_41] : memref<10240x128xf32, #tpu.memory_space<vmem_shared>> -> memref<128x128xf32, #tpu.memory_space<vmem_shared>>
      tpu.wait_dma2 semaphore(%run_scoped3A : memref<!tpu.dma_semaphore, #tpu.memory_space<semaphore_mem>>) src(%arg8 : memref<128x128xf32, #tpu.memory_space<vmem>>) dst(%dma_wait3A_42 : memref<128x128xf32, #tpu.memory_space<vmem_shared>>)
      tpu.yield
    }) : () -> ()
    "tpu.region"() ({
      %run_scoped3A = tpu.sem_alloc : memref<!tpu.dma_semaphore, #tpu.memory_space<semaphore_mem>>
      %dma_start3A = arith.constant 0 : i32
      %dma_start3A_37 = arith.constant 0 : i32
      %dma_start3A_38 = tpu.memref_slice %arg3[%add3A, %dma_start3A, %dma_start3A_37] : memref<32x79x128xi32, #tpu.memory_space<hbm>> -> memref<1x79x128xi32, #tpu.memory_space<hbm>>
      %dma_start3A_39 = tpu.memref_squeeze %dma_start3A_38 : memref<1x79x128xi32, #tpu.memory_space<hbm>> -> memref<79x128xi32, #tpu.memory_space<hbm>>
      %dma_start3A_40 = arith.constant 0 : i32
      %dma_start3A_41 = arith.constant 0 : i32
      %dma_start3A_42 = tpu.memref_slice %arg3[%add3A, %dma_start3A_40, %dma_start3A_41] : memref<32x79x128xi32, #tpu.memory_space<hbm>> -> memref<1x79x128xi32, #tpu.memory_space<hbm>>
      %dma_start3A_43 = tpu.memref_squeeze %dma_start3A_42 : memref<1x79x128xi32, #tpu.memory_space<hbm>> -> memref<79x128xi32, #tpu.memory_space<hbm>>
      tpu.enqueue_dma source(%dma_start3A_43 : memref<79x128xi32, #tpu.memory_space<hbm>>) target(%arg6 : memref<79x128xi32, #tpu.memory_space<vmem>>) target_semaphore(%run_scoped3A : memref<!tpu.dma_semaphore, #tpu.memory_space<semaphore_mem>>)
      %dma_wait3A = arith.constant 0 : i32
      %dma_wait3A_44 = arith.constant 0 : i32
      %dma_wait3A_45 = tpu.memref_slice %arg3[%add3A, %dma_wait3A, %dma_wait3A_44] : memref<32x79x128xi32, #tpu.memory_space<hbm>> -> memref<1x79x128xi32, #tpu.memory_space<hbm>>
      %dma_wait3A_46 = tpu.memref_squeeze %dma_wait3A_45 : memref<1x79x128xi32, #tpu.memory_space<hbm>> -> memref<79x128xi32, #tpu.memory_space<hbm>>
      %dma_wait3A_47 = arith.constant 0 : i32
      %dma_wait3A_48 = arith.constant 0 : i32
      %dma_wait3A_49 = tpu.memref_slice %arg3[%add3A, %dma_wait3A_47, %dma_wait3A_48] : memref<32x79x128xi32, #tpu.memory_space<hbm>> -> memref<1x79x128xi32, #tpu.memory_space<hbm>>
      %dma_wait3A_50 = tpu.memref_squeeze %dma_wait3A_49 : memref<1x79x128xi32, #tpu.memory_space<hbm>> -> memref<79x128xi32, #tpu.memory_space<hbm>>
      tpu.wait_dma2 semaphore(%run_scoped3A : memref<!tpu.dma_semaphore, #tpu.memory_space<semaphore_mem>>) src(%dma_wait3A_50 : memref<79x128xi32, #tpu.memory_space<hbm>>) dst(%arg6 : memref<79x128xi32, #tpu.memory_space<vmem>>)
      tpu.yield
    }) : () -> ()
    "tpu.region"() ({
      %run_scoped3A = tpu.sem_alloc : memref<!tpu.dma_semaphore, #tpu.memory_space<semaphore_mem>>
      %dma_start3A = arith.constant 0 : i32
      %dma_start3A_37 = arith.constant 0 : i32
      %dma_start3A_38 = tpu.memref_slice %arg4[%add3A, %dma_start3A, %dma_start3A_37] : memref<32x79x128xi32, #tpu.memory_space<hbm>> -> memref<1x79x128xi32, #tpu.memory_space<hbm>>
      %dma_start3A_39 = tpu.memref_squeeze %dma_start3A_38 : memref<1x79x128xi32, #tpu.memory_space<hbm>> -> memref<79x128xi32, #tpu.memory_space<hbm>>
      %dma_start3A_40 = arith.constant 0 : i32
      %dma_start3A_41 = arith.constant 0 : i32
      %dma_start3A_42 = tpu.memref_slice %arg4[%add3A, %dma_start3A_40, %dma_start3A_41] : memref<32x79x128xi32, #tpu.memory_space<hbm>> -> memref<1x79x128xi32, #tpu.memory_space<hbm>>
      %dma_start3A_43 = tpu.memref_squeeze %dma_start3A_42 : memref<1x79x128xi32, #tpu.memory_space<hbm>> -> memref<79x128xi32, #tpu.memory_space<hbm>>
      tpu.enqueue_dma source(%dma_start3A_43 : memref<79x128xi32, #tpu.memory_space<hbm>>) target(%arg7 : memref<79x128xi32, #tpu.memory_space<vmem>>) target_semaphore(%run_scoped3A : memref<!tpu.dma_semaphore, #tpu.memory_space<semaphore_mem>>)
      %dma_wait3A = arith.constant 0 : i32
      %dma_wait3A_44 = arith.constant 0 : i32
      %dma_wait3A_45 = tpu.memref_slice %arg4[%add3A, %dma_wait3A, %dma_wait3A_44] : memref<32x79x128xi32, #tpu.memory_space<hbm>> -> memref<1x79x128xi32, #tpu.memory_space<hbm>>
      %dma_wait3A_46 = tpu.memref_squeeze %dma_wait3A_45 : memref<1x79x128xi32, #tpu.memory_space<hbm>> -> memref<79x128xi32, #tpu.memory_space<hbm>>
      %dma_wait3A_47 = arith.constant 0 : i32
      %dma_wait3A_48 = arith.constant 0 : i32
      %dma_wait3A_49 = tpu.memref_slice %arg4[%add3A, %dma_wait3A_47, %dma_wait3A_48] : memref<32x79x128xi32, #tpu.memory_space<hbm>> -> memref<1x79x128xi32, #tpu.memory_space<hbm>>
      %dma_wait3A_50 = tpu.memref_squeeze %dma_wait3A_49 : memref<1x79x128xi32, #tpu.memory_space<hbm>> -> memref<79x128xi32, #tpu.memory_space<hbm>>
      tpu.wait_dma2 semaphore(%run_scoped3A : memref<!tpu.dma_semaphore, #tpu.memory_space<semaphore_mem>>) src(%dma_wait3A_50 : memref<79x128xi32, #tpu.memory_space<hbm>>) dst(%arg7 : memref<79x128xi32, #tpu.memory_space<vmem>>)
      tpu.yield
    }) : () -> ()
    %barrier3A = arith.constant 0 : index
    tpu.barrier barrier_id(%barrier3A)
    %scan3A_26 = arith.constant 0 : i32
    %scan3A_27 = arith.constant 0 : i32
    %scan3A_28 = arith.constant 79 : i32
    %scan3A_29 = arith.addi %scan3A_27, %scan3A_28 : i32
    %scan3A_30 = arith.constant 1 : i32
    scf.for %scan3A_37 = %scan3A_27 to %scan3A_29 step %scan3A_30  : i32 {
      %dma_start3A = arith.constant 0 : i32
      %dma_start3A_38 = tpu.memref_slice %arg6[%scan3A_37, %dma_start3A] : memref<79x128xi32, #tpu.memory_space<vmem>> -> memref<1x128xi32, #tpu.memory_space<vmem>>
      %dma_start3A_39 = tpu.memref_squeeze %dma_start3A_38 : memref<1x128xi32, #tpu.memory_space<vmem>> -> memref<128xi32, #tpu.memory_space<vmem>>
      %dma_start3A_40 = arith.constant 0 : i32
      %dma_start3A_41 = arith.constant 0 : i32
      %dma_start3A_42 = tpu.memref_slice %arg2[%dma_start3A_40, %dma_start3A_41] : memref<10000x128xf32, #tpu.memory_space<hbm>> -> memref<10000x128xf32, #tpu.memory_space<hbm>>
      tpu.enqueue_indirect_dma source(%dma_start3A_42 : memref<10000x128xf32, #tpu.memory_space<hbm>>) target(%arg8 : memref<128x128xf32, #tpu.memory_space<vmem>>) offsets(%dma_start3A_39 : memref<128xi32, #tpu.memory_space<vmem>>) semaphore(%arg10 : memref<!tpu.dma_semaphore, #tpu.memory_space<semaphore_mem>>)
      %dma_wait3A = arith.constant 0 : i32
      %dma_wait3A_43 = tpu.memref_slice %arg6[%scan3A_37, %dma_wait3A] : memref<79x128xi32, #tpu.memory_space<vmem>> -> memref<1x128xi32, #tpu.memory_space<vmem>>
      %dma_wait3A_44 = tpu.memref_squeeze %dma_wait3A_43 : memref<1x128xi32, #tpu.memory_space<vmem>> -> memref<128xi32, #tpu.memory_space<vmem>>
      %dma_wait3A_45 = arith.constant 0 : i32
      %dma_wait3A_46 = arith.constant 0 : i32
      %dma_wait3A_47 = tpu.memref_slice %arg2[%dma_wait3A_45, %dma_wait3A_46] : memref<10000x128xf32, #tpu.memory_space<hbm>> -> memref<10000x128xf32, #tpu.memory_space<hbm>>
      tpu.wait_indirect_dma semaphore(%arg10 : memref<!tpu.dma_semaphore, #tpu.memory_space<semaphore_mem>>) src(%dma_wait3A_47 : memref<10000x128xf32, #tpu.memory_space<hbm>>) dst(%arg8 : memref<128x128xf32, #tpu.memory_space<vmem>>)
      "tpu.region"() ({
        %run_scoped3A = tpu.sem_alloc : memref<!tpu.dma_semaphore, #tpu.memory_space<semaphore_mem>>
        %dma_start3A_48 = arith.constant 0 : i32
        %dma_start3A_49 = tpu.memref_slice %arg7[%scan3A_37, %dma_start3A_48] : memref<79x128xi32, #tpu.memory_space<vmem>> -> memref<1x128xi32, #tpu.memory_space<vmem>>
        %dma_start3A_50 = tpu.memref_squeeze %dma_start3A_49 : memref<1x128xi32, #tpu.memory_space<vmem>> -> memref<128xi32, #tpu.memory_space<vmem>>
        %dma_start3A_51 = arith.constant 0 : i32
        %dma_start3A_52 = arith.constant 0 : i32
        %dma_start3A_53 = tpu.memref_slice %arg9[%dma_start3A_51, %dma_start3A_52] : memref<10240x128xf32, #tpu.memory_space<vmem_shared>> -> memref<10240x128xf32, #tpu.memory_space<vmem_shared>>
        tpu.enqueue_indirect_dma source(%arg8 : memref<128x128xf32, #tpu.memory_space<vmem>>) target(%dma_start3A_53 : memref<10240x128xf32, #tpu.memory_space<vmem_shared>>) offsets(%dma_start3A_50 : memref<128xi32, #tpu.memory_space<vmem>>) semaphore(%run_scoped3A : memref<!tpu.dma_semaphore, #tpu.memory_space<semaphore_mem>>) {add = true}
        %dma_wait3A_54 = arith.constant 0 : i32
        %dma_wait3A_55 = tpu.memref_slice %arg7[%scan3A_37, %dma_wait3A_54] : memref<79x128xi32, #tpu.memory_space<vmem>> -> memref<1x128xi32, #tpu.memory_space<vmem>>
        %dma_wait3A_56 = tpu.memref_squeeze %dma_wait3A_55 : memref<1x128xi32, #tpu.memory_space<vmem>> -> memref<128xi32, #tpu.memory_space<vmem>>
        %dma_wait3A_57 = arith.constant 0 : i32
        %dma_wait3A_58 = arith.constant 0 : i32
        %dma_wait3A_59 = tpu.memref_slice %arg9[%dma_wait3A_57, %dma_wait3A_58] : memref<10240x128xf32, #tpu.memory_space<vmem_shared>> -> memref<10240x128xf32, #tpu.memory_space<vmem_shared>>
        tpu.wait_indirect_dma semaphore(%run_scoped3A : memref<!tpu.dma_semaphore, #tpu.memory_space<semaphore_mem>>) src(%arg8 : memref<128x128xf32, #tpu.memory_space<vmem>>) dst(%dma_wait3A_59 : memref<10240x128xf32, #tpu.memory_space<vmem_shared>>)
        tpu.yield
      }) : () -> ()
    }
    %scan3A_31 = arith.constant 79 : i32
    %barrier3A_32 = arith.constant 0 : index
    tpu.barrier barrier_id(%barrier3A_32)
    %mul3A_33 = arith.constant 640 : i32
    %mul3A_34 = arith.muli %arg1, %mul3A_33 : i32
    %mul3A_35 = arith.constant 640 : i32
    %mul3A_36 = arith.muli %arg1, %mul3A_35 : i32
    "tpu.region"() ({
      %run_scoped3A = tpu.sem_alloc : memref<!tpu.dma_semaphore, #tpu.memory_space<semaphore_mem>>
      %dma_start3A = arith.constant 0 : i32
      %dma_start3A_37 = tpu.memref_slice %arg5[%arg0, %mul3A_36, %dma_start3A] : memref<2x10240x128xf32, #tpu.memory_space<hbm>> -> memref<1x640x128xf32, #tpu.memory_space<hbm>>
      %dma_start3A_38 = tpu.memref_squeeze %dma_start3A_37 : memref<1x640x128xf32, #tpu.memory_space<hbm>> -> memref<640x128xf32, #tpu.memory_space<hbm>>
      %dma_start3A_39 = arith.constant 0 : i32
      %dma_start3A_40 = tpu.memref_slice %arg9[%mul3A_34, %dma_start3A_39] : memref<10240x128xf32, #tpu.memory_space<vmem_shared>> -> memref<640x128xf32, #tpu.memory_space<vmem_shared>>
      tpu.enqueue_dma source(%dma_start3A_40 : memref<640x128xf32, #tpu.memory_space<vmem_shared>>) target(%dma_start3A_38 : memref<640x128xf32, #tpu.memory_space<hbm>>) target_semaphore(%run_scoped3A : memref<!tpu.dma_semaphore, #tpu.memory_space<semaphore_mem>>)
      %dma_wait3A = arith.constant 0 : i32
      %dma_wait3A_41 = tpu.memref_slice %arg5[%arg0, %mul3A_36, %dma_wait3A] : memref<2x10240x128xf32, #tpu.memory_space<hbm>> -> memref<1x640x128xf32, #tpu.memory_space<hbm>>
      %dma_wait3A_42 = tpu.memref_squeeze %dma_wait3A_41 : memref<1x640x128xf32, #tpu.memory_space<hbm>> -> memref<640x128xf32, #tpu.memory_space<hbm>>
      %dma_wait3A_43 = arith.constant 0 : i32
      %dma_wait3A_44 = tpu.memref_slice %arg9[%mul3A_34, %dma_wait3A_43] : memref<10240x128xf32, #tpu.memory_space<vmem_shared>> -> memref<640x128xf32, #tpu.memory_space<vmem_shared>>
      tpu.wait_dma2 semaphore(%run_scoped3A : memref<!tpu.dma_semaphore, #tpu.memory_space<semaphore_mem>>) src(%dma_wait3A_44 : memref<640x128xf32, #tpu.memory_space<vmem_shared>>) dst(%dma_wait3A_42 : memref<640x128xf32, #tpu.memory_space<hbm>>)
      tpu.yield
    }) : () -> ()
    return
  }
}

module attributes {stable_mosaic.version = 14 : i64} {
  func.func @body(%arg0: memref<10000x128xf32, #tpu.memory_space<vmem>>, %arg1: memref<128x128xf32, #tpu.memory_space<vmem>>, %arg2: memref<2x10240x128xf32, #tpu.memory_space<vmem>>, %arg3: memref<10000x128xf32, #tpu.memory_space<vmem>>, %arg4: memref<10000x128xf32, #tpu.memory_space<vmem>>) attributes {dimension_semantics = [], scalar_prefetch = 0 : i64, scratch_operands = 0 : i64, tpu.core_type = #tpu.core_type<tc>} {
    %get3A = arith.constant 0 : index
    %get3A_0 = arith.constant 0 : index
    %get3A_1 = arith.constant 0 : index
    %get3A_2 = vector.load %arg2[%get3A, %get3A_0, %get3A_1] : memref<2x10240x128xf32, #tpu.memory_space<vmem>>, vector<1x10000x1xf32>
    %get3A_3 = vector.shape_cast %get3A_2 : vector<1x10000x1xf32> to vector<10000x1xf32>
    %get3A_4 = arith.constant 1 : index
    %get3A_5 = arith.constant 0 : index
    %get3A_6 = arith.constant 0 : index
    %get3A_7 = vector.load %arg2[%get3A_4, %get3A_5, %get3A_6] : memref<2x10240x128xf32, #tpu.memory_space<vmem>>, vector<1x10000x1xf32>
    %get3A_8 = vector.shape_cast %get3A_7 : vector<1x10000x1xf32> to vector<10000x1xf32>
    %add3A = arith.addf %get3A_3, %get3A_8 : vector<10000x1xf32>
    %add3A_9 = arith.constant 1.000000e+00 : f32
    %add3A_10 = vector.broadcast %add3A_9 : f32 to vector<10000x1xf32>
    %add3A_11 = arith.addf %add3A, %add3A_10 : vector<10000x1xf32>
    %rsqrt3A = math.rsqrt %add3A_11 : vector<10000x1xf32>
    %broadcast_in_dim3A = vector.shape_cast %rsqrt3A : vector<10000x1xf32> to vector<10000x1xf32>
    %broadcast_in_dim3A_12 = vector.broadcast %broadcast_in_dim3A : vector<10000x1xf32> to vector<10000x128xf32>
    %get3A_13 = arith.constant 0 : index
    %get3A_14 = arith.constant 0 : index
    %get3A_15 = vector.load %arg0[%get3A_13, %get3A_14] : memref<10000x128xf32, #tpu.memory_space<vmem>>, vector<10000x128xf32>
    %get3A_16 = arith.constant 0 : index
    %get3A_17 = arith.constant 0 : index
    %get3A_18 = vector.load %arg1[%get3A_16, %get3A_17] : memref<128x128xf32, #tpu.memory_space<vmem>>, vector<128x128xf32>
    %dot_general3A = arith.constant dense<0.000000e+00> : vector<10000x128xf32>
    %dot_general3A_19 = tpu.matmul %get3A_15, %get3A_18, %dot_general3A {dimension_numbers = #tpu.dot_dimension_numbers<[1], [0], [0], [1], [0, 0, 1, 1], [], []>, transpose_lhs_hint = false} : vector<10000x128xf32>, vector<128x128xf32>, vector<10000x128xf32> -> vector<10000x128xf32>
    %mul3A = arith.mulf %dot_general3A_19, %broadcast_in_dim3A_12 : vector<10000x128xf32>
    %swap3A = arith.constant 0 : index
    %swap3A_20 = arith.constant 0 : index
    %swap3A_21 = vector.load %arg3[%swap3A, %swap3A_20] : memref<10000x128xf32, #tpu.memory_space<vmem>>, vector<10000x128xf32>
    tpu.vector_store %arg3[%swap3A, %swap3A_20], %mul3A {strides = array<i32>} : memref<10000x128xf32, #tpu.memory_space<vmem>>, vector<10000x128xf32>,
    %swap3A_22 = arith.constant 0 : index
    %swap3A_23 = arith.constant 0 : index
    %swap3A_24 = vector.load %arg4[%swap3A_22, %swap3A_23] : memref<10000x128xf32, #tpu.memory_space<vmem>>, vector<10000x128xf32>
    tpu.vector_store %arg4[%swap3A_22, %swap3A_23], %broadcast_in_dim3A_12 {strides = array<i32>} : memref<10000x128xf32, #tpu.memory_space<vmem>>, vector<10000x128xf32>,
    return
  }
}

module attributes {stable_mosaic.version = 14 : i64} {
  func.func @body(%arg0: memref<2x10240x128xf32, #tpu.memory_space<vmem>>, %arg1: memref<10000x128xf32, #tpu.memory_space<vmem>>, %arg2: memref<10000x128xf32, #tpu.memory_space<vmem>>, %arg3: memref<128xf32, #tpu.memory_space<vmem>>, %arg4: memref<128xf32, #tpu.memory_space<vmem>>, %arg5: memref<128xf32, #tpu.memory_space<vmem>>, %arg6: memref<128xf32, #tpu.memory_space<vmem>>, %arg7: memref<128x128xf32, #tpu.memory_space<vmem>>, %arg8: memref<10000x128xf32, #tpu.memory_space<vmem>>) attributes {dimension_semantics = [], scalar_prefetch = 0 : i64, scratch_operands = 0 : i64, tpu.core_type = #tpu.core_type<tc>} {
    %get3A = arith.constant 0 : index
    %get3A_0 = arith.constant 0 : index
    %get3A_1 = arith.constant 0 : index
    %get3A_2 = vector.load %arg0[%get3A, %get3A_0, %get3A_1] : memref<2x10240x128xf32, #tpu.memory_space<vmem>>, vector<1x10000x128xf32>
    %get3A_3 = vector.shape_cast %get3A_2 : vector<1x10000x128xf32> to vector<10000x128xf32>
    %get3A_4 = arith.constant 1 : index
    %get3A_5 = arith.constant 0 : index
    %get3A_6 = arith.constant 0 : index
    %get3A_7 = vector.load %arg0[%get3A_4, %get3A_5, %get3A_6] : memref<2x10240x128xf32, #tpu.memory_space<vmem>>, vector<1x10000x128xf32>
    %get3A_8 = vector.shape_cast %get3A_7 : vector<1x10000x128xf32> to vector<10000x128xf32>
    %add3A = arith.addf %get3A_3, %get3A_8 : vector<10000x128xf32>
    %get3A_9 = arith.constant 0 : index
    %get3A_10 = arith.constant 0 : index
    %get3A_11 = vector.load %arg2[%get3A_9, %get3A_10] : memref<10000x128xf32, #tpu.memory_space<vmem>>, vector<10000x128xf32>
    %get3A_12 = arith.constant 0 : index
    %get3A_13 = arith.constant 0 : index
    %get3A_14 = vector.load %arg1[%get3A_12, %get3A_13] : memref<10000x128xf32, #tpu.memory_space<vmem>>, vector<10000x128xf32>
    %add3A_15 = arith.addf %add3A, %get3A_14 : vector<10000x128xf32>
    %mul3A = arith.mulf %get3A_11, %add3A_15 : vector<10000x128xf32>
    %get3A_16 = arith.constant 0 : index
    %get3A_17 = vector.load %arg3[%get3A_16] : memref<128xf32, #tpu.memory_space<vmem>>, vector<128xf32>
    %broadcast_in_dim3A = vector.shape_cast %get3A_17 : vector<128xf32> to vector<1x128xf32>
    %add3A_18 = vector.broadcast %broadcast_in_dim3A : vector<1x128xf32> to vector<10000x128xf32>
    %add3A_19 = arith.addf %mul3A, %add3A_18 : vector<10000x128xf32>
    %get3A_20 = arith.constant 0 : index
    %get3A_21 = vector.load %arg4[%get3A_20] : memref<128xf32, #tpu.memory_space<vmem>>, vector<128xf32>
    %get3A_22 = arith.constant 0 : index
    %get3A_23 = vector.load %arg6[%get3A_22] : memref<128xf32, #tpu.memory_space<vmem>>, vector<128xf32>
    %get3A_24 = arith.constant 0 : index
    %get3A_25 = vector.load %arg5[%get3A_24] : memref<128xf32, #tpu.memory_space<vmem>>, vector<128xf32>
    %reduce_sum3A = arith.constant dense<0.000000e+00> : vector<128xf32>
    %reduce_sum3A_26 = vector.multi_reduction <add>, %add3A_19, %reduce_sum3A [0] : vector<10000x128xf32> to vector<128xf32>
    %broadcast_in_dim3A_27 = vector.shape_cast %reduce_sum3A_26 : vector<128xf32> to vector<1x128xf32>
    %div3A = arith.constant 1.000000e+04 : f32
    %div3A_28 = vector.broadcast %div3A : f32 to vector<1x128xf32>
    %div3A_29 = arith.divf %broadcast_in_dim3A_27, %div3A_28 : vector<1x128xf32>
    %broadcast_in_dim3A_30 = vector.shape_cast %get3A_23 : vector<128xf32> to vector<1x128xf32>
    %mul3A_31 = arith.mulf %broadcast_in_dim3A_30, %div3A_29 : vector<1x128xf32>
    %sub3A = vector.broadcast %mul3A_31 : vector<1x128xf32> to vector<10000x128xf32>
    %sub3A_32 = arith.subf %add3A_19, %sub3A : vector<10000x128xf32>
    %mul3A_33 = arith.mulf %sub3A_32, %sub3A_32 : vector<10000x128xf32>
    %reduce_sum3A_34 = arith.constant dense<0.000000e+00> : vector<128xf32>
    %reduce_sum3A_35 = vector.multi_reduction <add>, %mul3A_33, %reduce_sum3A_34 [0] : vector<10000x128xf32> to vector<128xf32>
    %broadcast_in_dim3A_36 = vector.shape_cast %reduce_sum3A_35 : vector<128xf32> to vector<1x128xf32>
    %div3A_37 = arith.constant 1.000000e+04 : f32
    %div3A_38 = vector.broadcast %div3A_37 : f32 to vector<1x128xf32>
    %div3A_39 = arith.divf %broadcast_in_dim3A_36, %div3A_38 : vector<1x128xf32>
    %add3A_40 = arith.constant 9.99999974E-6 : f32
    %add3A_41 = vector.broadcast %add3A_40 : f32 to vector<1x128xf32>
    %add3A_42 = arith.addf %div3A_39, %add3A_41 : vector<1x128xf32>
    %rsqrt3A = math.rsqrt %add3A_42 : vector<1x128xf32>
    %mul3A_43 = vector.broadcast %rsqrt3A : vector<1x128xf32> to vector<10000x128xf32>
    %mul3A_44 = arith.mulf %sub3A_32, %mul3A_43 : vector<10000x128xf32>
    %broadcast_in_dim3A_45 = vector.shape_cast %get3A_21 : vector<128xf32> to vector<1x128xf32>
    %mul3A_46 = vector.broadcast %broadcast_in_dim3A_45 : vector<1x128xf32> to vector<10000x128xf32>
    %mul3A_47 = arith.mulf %mul3A_44, %mul3A_46 : vector<10000x128xf32>
    %broadcast_in_dim3A_48 = vector.shape_cast %get3A_25 : vector<128xf32> to vector<1x128xf32>
    %add3A_49 = vector.broadcast %broadcast_in_dim3A_48 : vector<1x128xf32> to vector<10000x128xf32>
    %add3A_50 = arith.addf %mul3A_47, %add3A_49 : vector<10000x128xf32>
    %max3A = arith.constant 0.000000e+00 : f32
    %max3A_51 = vector.broadcast %max3A : f32 to vector<10000x128xf32>
    %max3A_52 = arith.maximumf %add3A_50, %max3A_51 : vector<10000x128xf32>
    %get3A_53 = arith.constant 0 : index
    %get3A_54 = arith.constant 0 : index
    %get3A_55 = vector.load %arg7[%get3A_53, %get3A_54] : memref<128x128xf32, #tpu.memory_space<vmem>>, vector<128x128xf32>
    %dot_general3A = arith.constant dense<0.000000e+00> : vector<10000x128xf32>
    %dot_general3A_56 = tpu.matmul %max3A_52, %get3A_55, %dot_general3A {dimension_numbers = #tpu.dot_dimension_numbers<[1], [0], [0], [1], [0, 0, 1, 1], [], []>, transpose_lhs_hint = false} : vector<10000x128xf32>, vector<128x128xf32>, vector<10000x128xf32> -> vector<10000x128xf32>
    %get3A_57 = arith.constant 0 : index
    %get3A_58 = arith.constant 0 : index
    %get3A_59 = vector.load %arg2[%get3A_57, %get3A_58] : memref<10000x128xf32, #tpu.memory_space<vmem>>, vector<10000x128xf32>
    %mul3A_60 = arith.mulf %get3A_59, %dot_general3A_56 : vector<10000x128xf32>
    %swap3A = arith.constant 0 : index
    %swap3A_61 = arith.constant 0 : index
    %swap3A_62 = vector.load %arg8[%swap3A, %swap3A_61] : memref<10000x128xf32, #tpu.memory_space<vmem>>, vector<10000x128xf32>
    tpu.vector_store %arg8[%swap3A, %swap3A_61], %mul3A_60 {strides = array<i32>} : memref<10000x128xf32, #tpu.memory_space<vmem>>, vector<10000x128xf32>,
    return
  }
}

module attributes {stable_mosaic.version = 14 : i64} {
  func.func @body(%arg0: memref<2x10240x128xf32, #tpu.memory_space<vmem>>, %arg1: memref<10000x128xf32, #tpu.memory_space<vmem>>, %arg2: memref<10000x128xf32, #tpu.memory_space<vmem>>, %arg3: memref<128xf32, #tpu.memory_space<vmem>>, %arg4: memref<128xf32, #tpu.memory_space<vmem>>, %arg5: memref<128xf32, #tpu.memory_space<vmem>>, %arg6: memref<128xf32, #tpu.memory_space<vmem>>, %arg7: memref<10000x128xf32, #tpu.memory_space<vmem>>, %arg8: memref<256x128xf32, #tpu.memory_space<vmem>>, %arg9: memref<128xf32, #tpu.memory_space<vmem>>, %arg10: memref<10000x128xf32, #tpu.memory_space<vmem>>) attributes {dimension_semantics = [], scalar_prefetch = 0 : i64, scratch_operands = 0 : i64, tpu.core_type = #tpu.core_type<tc>} {
    %get3A = arith.constant 0 : index
    %get3A_0 = arith.constant 0 : index
    %get3A_1 = arith.constant 0 : index
    %get3A_2 = vector.load %arg0[%get3A, %get3A_0, %get3A_1] : memref<2x10240x128xf32, #tpu.memory_space<vmem>>, vector<1x10000x128xf32>
    %get3A_3 = vector.shape_cast %get3A_2 : vector<1x10000x128xf32> to vector<10000x128xf32>
    %get3A_4 = arith.constant 1 : index
    %get3A_5 = arith.constant 0 : index
    %get3A_6 = arith.constant 0 : index
    %get3A_7 = vector.load %arg0[%get3A_4, %get3A_5, %get3A_6] : memref<2x10240x128xf32, #tpu.memory_space<vmem>>, vector<1x10000x128xf32>
    %get3A_8 = vector.shape_cast %get3A_7 : vector<1x10000x128xf32> to vector<10000x128xf32>
    %add3A = arith.addf %get3A_3, %get3A_8 : vector<10000x128xf32>
    %get3A_9 = arith.constant 0 : index
    %get3A_10 = arith.constant 0 : index
    %get3A_11 = vector.load %arg2[%get3A_9, %get3A_10] : memref<10000x128xf32, #tpu.memory_space<vmem>>, vector<10000x128xf32>
    %get3A_12 = arith.constant 0 : index
    %get3A_13 = arith.constant 0 : index
    %get3A_14 = vector.load %arg1[%get3A_12, %get3A_13] : memref<10000x128xf32, #tpu.memory_space<vmem>>, vector<10000x128xf32>
    %add3A_15 = arith.addf %add3A, %get3A_14 : vector<10000x128xf32>
    %mul3A = arith.mulf %get3A_11, %add3A_15 : vector<10000x128xf32>
    %get3A_16 = arith.constant 0 : index
    %get3A_17 = vector.load %arg3[%get3A_16] : memref<128xf32, #tpu.memory_space<vmem>>, vector<128xf32>
    %broadcast_in_dim3A = vector.shape_cast %get3A_17 : vector<128xf32> to vector<1x128xf32>
    %add3A_18 = vector.broadcast %broadcast_in_dim3A : vector<1x128xf32> to vector<10000x128xf32>
    %add3A_19 = arith.addf %mul3A, %add3A_18 : vector<10000x128xf32>
    %get3A_20 = arith.constant 0 : index
    %get3A_21 = vector.load %arg4[%get3A_20] : memref<128xf32, #tpu.memory_space<vmem>>, vector<128xf32>
    %get3A_22 = arith.constant 0 : index
    %get3A_23 = vector.load %arg6[%get3A_22] : memref<128xf32, #tpu.memory_space<vmem>>, vector<128xf32>
    %get3A_24 = arith.constant 0 : index
    %get3A_25 = vector.load %arg5[%get3A_24] : memref<128xf32, #tpu.memory_space<vmem>>, vector<128xf32>
    %reduce_sum3A = arith.constant dense<0.000000e+00> : vector<128xf32>
    %reduce_sum3A_26 = vector.multi_reduction <add>, %add3A_19, %reduce_sum3A [0] : vector<10000x128xf32> to vector<128xf32>
    %broadcast_in_dim3A_27 = vector.shape_cast %reduce_sum3A_26 : vector<128xf32> to vector<1x128xf32>
    %div3A = arith.constant 1.000000e+04 : f32
    %div3A_28 = vector.broadcast %div3A : f32 to vector<1x128xf32>
    %div3A_29 = arith.divf %broadcast_in_dim3A_27, %div3A_28 : vector<1x128xf32>
    %broadcast_in_dim3A_30 = vector.shape_cast %get3A_23 : vector<128xf32> to vector<1x128xf32>
    %mul3A_31 = arith.mulf %broadcast_in_dim3A_30, %div3A_29 : vector<1x128xf32>
    %sub3A = vector.broadcast %mul3A_31 : vector<1x128xf32> to vector<10000x128xf32>
    %sub3A_32 = arith.subf %add3A_19, %sub3A : vector<10000x128xf32>
    %mul3A_33 = arith.mulf %sub3A_32, %sub3A_32 : vector<10000x128xf32>
    %reduce_sum3A_34 = arith.constant dense<0.000000e+00> : vector<128xf32>
    %reduce_sum3A_35 = vector.multi_reduction <add>, %mul3A_33, %reduce_sum3A_34 [0] : vector<10000x128xf32> to vector<128xf32>
    %broadcast_in_dim3A_36 = vector.shape_cast %reduce_sum3A_35 : vector<128xf32> to vector<1x128xf32>
    %div3A_37 = arith.constant 1.000000e+04 : f32
    %div3A_38 = vector.broadcast %div3A_37 : f32 to vector<1x128xf32>
    %div3A_39 = arith.divf %broadcast_in_dim3A_36, %div3A_38 : vector<1x128xf32>
    %add3A_40 = arith.constant 9.99999974E-6 : f32
    %add3A_41 = vector.broadcast %add3A_40 : f32 to vector<1x128xf32>
    %add3A_42 = arith.addf %div3A_39, %add3A_41 : vector<1x128xf32>
    %rsqrt3A = math.rsqrt %add3A_42 : vector<1x128xf32>
    %mul3A_43 = vector.broadcast %rsqrt3A : vector<1x128xf32> to vector<10000x128xf32>
    %mul3A_44 = arith.mulf %sub3A_32, %mul3A_43 : vector<10000x128xf32>
    %broadcast_in_dim3A_45 = vector.shape_cast %get3A_21 : vector<128xf32> to vector<1x128xf32>
    %mul3A_46 = vector.broadcast %broadcast_in_dim3A_45 : vector<1x128xf32> to vector<10000x128xf32>
    %mul3A_47 = arith.mulf %mul3A_44, %mul3A_46 : vector<10000x128xf32>
    %broadcast_in_dim3A_48 = vector.shape_cast %get3A_25 : vector<128xf32> to vector<1x128xf32>
    %add3A_49 = vector.broadcast %broadcast_in_dim3A_48 : vector<1x128xf32> to vector<10000x128xf32>
    %add3A_50 = arith.addf %mul3A_47, %add3A_49 : vector<10000x128xf32>
    %max3A = arith.constant 0.000000e+00 : f32
    %max3A_51 = vector.broadcast %max3A : f32 to vector<10000x128xf32>
    %max3A_52 = arith.maximumf %add3A_50, %max3A_51 : vector<10000x128xf32>
    %get3A_53 = arith.constant 0 : index
    %get3A_54 = arith.constant 0 : index
    %get3A_55 = vector.load %arg7[%get3A_53, %get3A_54] : memref<10000x128xf32, #tpu.memory_space<vmem>>, vector<10000x128xf32>
    %get3A_56 = arith.constant 0 : index
    %get3A_57 = arith.constant 0 : index
    %get3A_58 = vector.load %arg8[%get3A_56, %get3A_57] : memref<256x128xf32, #tpu.memory_space<vmem>>, vector<128x128xf32>
    %dot_general3A = arith.constant dense<0.000000e+00> : vector<10000x128xf32>
    %dot_general3A_59 = tpu.matmul %get3A_55, %get3A_58, %dot_general3A {dimension_numbers = #tpu.dot_dimension_numbers<[1], [0], [0], [1], [0, 0, 1, 1], [], []>, transpose_lhs_hint = false} : vector<10000x128xf32>, vector<128x128xf32>, vector<10000x128xf32> -> vector<10000x128xf32>
    %get3A_60 = arith.constant 128 : index
    %get3A_61 = arith.constant 0 : index
    %get3A_62 = vector.load %arg8[%get3A_60, %get3A_61] : memref<256x128xf32, #tpu.memory_space<vmem>>, vector<128x128xf32>
    %dot_general3A_63 = arith.constant dense<0.000000e+00> : vector<10000x128xf32>
    %dot_general3A_64 = tpu.matmul %max3A_52, %get3A_62, %dot_general3A_63 {dimension_numbers = #tpu.dot_dimension_numbers<[1], [0], [0], [1], [0, 0, 1, 1], [], []>, transpose_lhs_hint = false} : vector<10000x128xf32>, vector<128x128xf32>, vector<10000x128xf32> -> vector<10000x128xf32>
    %add3A_65 = arith.addf %dot_general3A_59, %dot_general3A_64 : vector<10000x128xf32>
    %get3A_66 = arith.constant 0 : index
    %get3A_67 = vector.load %arg9[%get3A_66] : memref<128xf32, #tpu.memory_space<vmem>>, vector<128xf32>
    %broadcast_in_dim3A_68 = vector.shape_cast %get3A_67 : vector<128xf32> to vector<1x128xf32>
    %add3A_69 = vector.broadcast %broadcast_in_dim3A_68 : vector<1x128xf32> to vector<10000x128xf32>
    %add3A_70 = arith.addf %add3A_65, %add3A_69 : vector<10000x128xf32>
    %swap3A = arith.constant 0 : index
    %swap3A_71 = arith.constant 0 : index
    %swap3A_72 = vector.load %arg10[%swap3A, %swap3A_71] : memref<10000x128xf32, #tpu.memory_space<vmem>>, vector<10000x128xf32>
    tpu.vector_store %arg10[%swap3A, %swap3A_71], %add3A_70 {strides = array<i32>} : memref<10000x128xf32, #tpu.memory_space<vmem>>, vector<10000x128xf32>,
    return
  }
}

</mosaic_0001>

<sc_bundles>
// kernel: kernel.11.cloned.1.call-start
scs
__scs_entry_jumppad:
0x0: {  	(pc) =	sbr.rel $0x88, $3  }
0x1: {  	(tag) =	ssettag $0x0;
	lr =	simm.s32 $0x1  }
0x2: {  	[smem:$0x3F93] =	sst lr;
	_ =	strace $0xD0000000  }
0x3: {  	_ = 	snop  }
0x4: {  	_ = 	snop  }
0x5: {  	_ = 	snop  }
0x6: {  	_ = 	snop  }
0x7: {  	_ = 	snop  }
__scs_overlays_trampoline_lowered:
0x8: {  	[smem:$0x3FA2] =	sst s0  }
0x9: {  	[smem:$0x3FA3] =	sst s1  }
0xa: {  	[smem:$0x3FA4] =	sst s2  }
0xb: {  	[smem:$0x3FA5] =	sst s3  }
0xc: {  	[smem:$0x3FA6] =	sst s4  }
0xd: {  	[smem:$0x3FA7] =	sst s5  }
0xe: {  	[smem:$0x3FA8] =	sst s6  }
0xf: {  	[smem:$0x3FA9] =	sst s7  }
0x10: {  	[smem:$0x3FAA] =	sst s8  }
0x11: {  	[smem:$0x3FAB] =	sst s9;
	s0 =	simm.s32 @!p0 $0x0  }
0x12: {  	s1 =	sld [smem:$0x3F91];
	s0 =	simm.s32 @p0 $0x1  }
0x13: {  	[smem:$0x3FAC] =	sst s0;
	s0 =	simm.s32 @!p1 $0x0  }
0x14: {  	s2 =	sld [smem:$0x3F90];
	s0 =	simm.s32 @p1 $0x1  }
0x15: {  	[smem:$0x3FAD] =	sst s0;
	s0 =	simm.s32 @!p2 $0x0  }
0x16: {  	s3 =	sld [smem:$0x3FDB];
	s0 =	simm.s32 @p2 $0x1  }
0x17: {  	s4 =	simm.s32 $0x1BF5;
	[smem:$0x3FAF] =	sst s0  }
0x18: {  	s0 =	sld [smem:$0x3F92];
	_ =	swait.ge [sflag:s4], $0x0  }
0x19: {  	s7 =	sld [smem:$0x3F93]  }
0x1a: {  	s8 =	sadd.s32 $0xFFFFE003, lr  }
0x1b: {  	s9 =	sadd.s32 $0xFFFFFEF7, lr;
	s5 =	simm.s32 $0xFFFFFFFF;
	p2 =	slt.u32 s8, $0xFFFFF086  }
0x1c: {  	p1 =	slt.u32 s9, $0xF7A;
	s5 =	simm.s32 @!p2 $0x0  }
0x1d: {  	s5 =	simm.s32 @p1 $0x1;
	p0 =	seq.s32 s7, s2  }
0x1e: {  	s7 =	smul.u32 @!p0 $0xF7A, s2;
	p2 =	seq.s32 @!p0 s5, $0x0  }
0x1f: {  	s9 =	smul.u32 $0xF7A, s1;
	s8 =	simm.s32 @!p0 $0x1BF5;
	p2 =	por !p2, p0  }
0x20: {  	[sflag:s8] =	ssyncset.s32 @!p0 $0xFFFFF086;
	s6 =	sadd.s32 @!p0 s3, s7;
	s7 =	simm.s32 @!p0 $0x108  }
0x21: {  	s3 =	sadd.s32 s3, s9;
	s6 =	sadd.s32 @!p0 $0x88, s6;
	s7 =	simm.s32 @p2 $0x1082  }
0x22: {  	[simem:s7], [sflag:s8] =	dma.local @!p0 [hbm:s6], $0xF7A  }
0x23: {  	s9 =	sor.u32 $0xD0000000, s2;
	s6 =	simm.s32 $0x108;
	_ =	swait.ge @!p0 [sflag:s8], $0x0  }
0x24: {  	s3 =	sadd.s32 $0x88, s3;
	s6 =	simm.s32 @!p1 $0x1082;
	[sflag:s4] =	ssyncset.s32 $0xFFFFF086  }
0x25: {  	[simem:s6], [sflag:s4] =	dma.local [hbm:s3], $0xF7A  }
0x26: {  	[smem:$0x3F93] =	sst s1;
	(tag) =	ssettag s2;
	_ =	strace s9  }
0x27: {  	s1 =	sld [smem:$0x3FA3]  }
0x28: {  	s2 =	sld [smem:$0x3FA4]  }
0x29: {  	s4 =	sld [smem:$0x3FA6]  }
0x2a: {  	p0 =	seq.s32 s5, $0x0;
	s5 =	sld [smem:$0x3FA7]  }
0x2b: {  	s6 =	sld [smem:$0x3FA8]  }
0x2c: {  	s7 =	sld [smem:$0x3FA9]  }
0x2d: {  	s3 =	simm.s32 $0x108;
	s8 =	sld [smem:$0x3FAA]  }
0x2e: {  	s3 =	simm.s32 @!p0 $0x1082;
	s9 =	sld [smem:$0x3FAB]  }
0x2f: {  	lr =	sadd.s32 s0, s3;
	s0 =	sld [smem:$0x3FA2]  }
0x30: {  	s3 =	sld [smem:$0x3FA5]  }
0x31: {  	[smem:$0x3FAE] =	sst s10  }
0x32: {  	s10 =	sld [smem:$0x3FAC];
	_ =	sdelay $0x3  }
0x33: {  	p0 =	seq.s32 s10, $0x1;
	s10 =	sld [smem:$0x3FAE];
	_ =	sdelay $0x3  }
0x34: {  	[smem:$0x3FAE] =	sst s10  }
0x35: {  	s10 =	sld [smem:$0x3FAD];
	_ =	sdelay $0x3  }
0x36: {  	p1 =	seq.s32 s10, $0x1;
	s10 =	sld [smem:$0x3FAE];
	_ =	sdelay $0x3  }
0x37: {  	[smem:$0x3FAE] =	sst s10  }
0x38: {  	s10 =	sld [smem:$0x3FAF]  }
0x39: {  	_ = 	snop;
	(pc) =	sbr.ind lr, $3  }
0x3a: {  	_ = 	snop  }
0x3b: {  	_ = 	snop  }
0x3c: {  	p2 =	seq.s32 s10, $0x1;
	s10 =	sld [smem:$0x3FAE]  }
0x3d: {  	_ =	shalt  }
0x3e: {  	_ =	shalt  }
0x3f: {  	_ =	shalt  }
0x40: {  	_ =	shalt  }
0x41: {  	_ =	shalt  }
0x42: {  	_ =	shalt  }
0x43: {  	_ =	shalt  }
0x44: {  	_ =	shalt  }
0x45: {  	_ =	shalt  }
0x46: {  	_ =	shalt  }
0x47: {  	_ =	shalt  }
0x48: {  	_ =	shalt  }
0x49: {  	_ =	shalt  }
0x4a: {  	_ =	shalt  }
0x4b: {  	_ =	shalt  }
0x4c: {  	_ =	shalt  }
0x4d: {  	_ =	shalt  }
0x4e: {  	_ =	shalt  }
0x4f: {  	_ =	shalt  }
0x50: {  	_ =	shalt  }
0x51: {  	_ =	shalt  }
0x52: {  	_ =	shalt  }
0x53: {  	_ =	shalt  }
0x54: {  	_ =	shalt  }
0x55: {  	_ =	shalt  }
0x56: {  	_ =	shalt  }
0x57: {  	_ =	shalt  }
0x58: {  	_ =	shalt  }
0x59: {  	_ =	shalt  }
0x5a: {  	_ =	shalt  }
0x5b: {  	_ =	shalt  }
0x5c: {  	_ =	shalt  }
0x5d: {  	_ =	shalt  }
0x5e: {  	_ =	shalt  }
0x5f: {  	_ =	shalt  }
0x60: {  	_ =	shalt  }
0x61: {  	_ =	shalt  }
0x62: {  	_ =	shalt  }
0x63: {  	_ =	shalt  }
0x64: {  	_ =	shalt  }
0x65: {  	_ =	shalt  }
0x66: {  	_ =	shalt  }
0x67: {  	_ =	shalt  }
0x68: {  	_ =	shalt  }
0x69: {  	_ =	shalt  }
0x6a: {  	_ =	shalt  }
0x6b: {  	_ =	shalt  }
0x6c: {  	_ =	shalt  }
0x6d: {  	_ =	shalt  }
0x6e: {  	_ =	shalt  }
0x6f: {  	_ =	shalt  }
0x70: {  	_ =	shalt  }
0x71: {  	_ =	shalt  }
0x72: {  	_ =	shalt  }
0x73: {  	_ =	shalt  }
0x74: {  	_ =	shalt  }
0x75: {  	_ =	shalt  }
0x76: {  	_ =	shalt  }
0x77: {  	_ =	shalt  }
0x78: {  	_ =	shalt  }
0x79: {  	_ =	shalt  }
0x7a: {  	_ =	shalt  }
0x7b: {  	_ =	shalt  }
0x7c: {  	_ =	shalt  }
0x7d: {  	_ =	shalt  }
0x7e: {  	_ =	shalt  }
0x7f: {  	_ =	shalt  }
0x80: {  	_ =	shalt  }
0x81: {  	_ =	shalt  }
0x82: {  	_ =	shalt  }
0x83: {  	_ =	shalt  }
0x84: {  	_ =	shalt  }
0x85: {  	_ =	shalt  }
0x86: {  	_ =	shalt  }
0x87: {  	_ =	shalt  }
.Lfunc_end0:
.L_simem_size_0:
called_computation.1_lowered:
.L_overlay_start_0:
0x88: {  	s2 =	sld [smem:$0x3FD9]  }
0x89: {  	s3 =	sld [smem:$0x3FFE];
	_ =	sdelay $0x1  }
0x8a: {  	s1 =	srdreg.scid  }
0x8b: {  	s0 =	sand.u32 $0x1, s1  }
0x8c: {  	s17 =	sshll.u32 s0, $0xA;
	s2 =	sadd.s32 s3, s2  }
0x8d: {  	s2 =	sadd.s32 s2, s17  }
0x8e: {  	[smem:$0x3FBA] =	sst s2  }
0x8f: {  	_ = 	snop  }
0x90: {  	s2 =	sld [smem:$0x3FD0];
	(tm) =	ssettm $0x1  }
0x91: {  	s18 =	sld [smem:$0x3FFB];
	_ =	sdelay $0x3  }
0x92: {  	_ =	strace s18  }
0x93: {  	s3 =	sld [smem:$0x3FFC];
	_ =	sdelay $0x3  }
0x94: {  	_ =	strace s3  }
0x95: {  	s3 =	sld [smem:$0x3FFD];
	_ =	sdelay $0x3  }
0x96: {  	_ =	strace s3  }
0x97: {  	_ =	strace $0x8FFFFFFF  }
0x98: {  	s19 =	sld [smem:$0x3FDB];
	_ =	sdelay $0x1  }
0x99: {  	s4 =	simm.s32 $_scs_section_size  }
0x9a: {  	s5 =	simm.s32 $_size__tile_overlayer_lowered;
	s6 =	simm.s32 $_tile_overlayer_lowered  }
0x9b: {  	s22 =	simm.s32 $0x1BFF;
	s21 =	sshll.u32 s6, $0x1;
	s3 =	sadd.s32 s4, s19  }
0x9c: {  	s7 =	simm.s32 $0x0;
	s20 =	sshll.u32 s5, $0x1;
	s5 =	sadd.s32 s21, s3  }
0x9d: {  	[timem:s7], [sflag:s22] =	dma.local [hbm:s5], s20  }
0x9e: {  	_ =	swait.ge [sflag:s22], s20  }
0x9f: {  	s4 =	ssub.s32 $0x0, s20;
	[sflag:s22] =	ssyncset.done $0x0  }
0xa0: {  	[sflag:s22] =	ssyncadd.s32 s4;
	_ =	sdelay $0x1  }
0xa1: {  	s23 =	simm.s32 $0x1B8B  }
0xa2: {  	_ =	swait.ge [sflag:s23], $0x1  }
0xa3: {  	[sflag:s23] =	ssyncset.done $0x0  }
0xa4: {  	s25 =	simm.s32 $0x1B8E;
	s24 =	sld [smem:$0x3FFE];
	[sflag:s23] =	ssyncadd.s32 $0xFFFFFFFF  }
0xa5: {  	s26 =	simm.s32 $execute0_lowered;
	[smem:$0x3FD2] =	sst s25  }
0xa6: {  	s5 =	sshll.u32 s26, $0x1;
	_ =	strace $0x80000049;
	[dreg:$0x1] =	wrdreg $0xFFFFFFFF  }
0xa7: {  	s28 =	simm.s32 $_size_execute0_lowered;
	s3 =	sadd.s32 s3, s5;
	[dreg:$0x0] =	wrdreg $0x0  }
0xa8: {  	s5 =	sshll.u32 s28, $0x1;
	[dreg:$0x2] =	wrdreg s3  }
0xa9: {  	[dreg:$0x3] =	wrdreg s5  }
0xaa: {  	[dreg:$0x4] =	wrdreg $0xC0  }
0xab: {  	_ =	task [dreg:s7], $0x5FFFF  }
0xac: {  	[dreg:$0x1] =	wrdreg $0xFFFFFFFF  }
0xad: {  	[dreg:$0x0] =	wrdreg $0x60  }
0xae: {  	[dreg:$0x2] =	wrdreg s2  }
0xaf: {  	[dreg:$0x3] =	wrdreg s24  }
0xb0: {  	[dreg:$0x4] =	wrdreg $0x90000  }
0xb1: {  	[dreg:$0x5] =	wrdreg $0x9  }
0xb2: {  	_ =	task.clear_ibuf [dreg:s7], $0x6FFFF;
	_ =	strace $0x90000049  }
0xb3: {  	s29 =	simm.s32 $0x9;
	_ =	strace $0x8000004B  }
0xb4: {  	_ =	swait.ge [sflag:s29], $0x1  }
0xb5: {  	[sflag:s29] =	ssyncadd.s32 $0xFFFFFFFF  }
0xb6: {  	_ =	strace $0x9000004B  }
0xb7: {  	_ =	sfence  }
0xb8: {  	s30 =	sld [smem:$0x0];
	_ =	sdelay $0x2  }
0xb9: {  	s31 =	sshll.u32 s1, $0xD;
	s1 =	sshrl.u32 s1, $0x2  }
0xba: {  	s3 =	sand.u32 $0x4000, s31;
	s1 =	sadd.s32 s1, s30  }
0xbb: {  	s0 =	sor.u32 s3, s0;
	s1 =	sshll.u32 s1, $0x11  }
0xbc: {  	s0 =	sor.u32 s1, s0  }
0xbd: {  	s0 =	sadd.s32 $0x8F2B, s0  }
0xbe: {  	[sflag:s0] =	ssyncadd.remote.s32 $0x1  }
0xbf: {  	_ =	sfence.sel $0xFFFF  }
0xc0: {  	[dreg:$0x0] =	wrdreg $0xFFFFFFFF;
	(pc) =	sbr.abs _section_cstart, $3  }
0xc1: {  	[dreg:$0x1] =	wrdreg $0xFFFFFFFF  }
0xc2: {  	_ =	task.clear_ibuf [dreg:s7], $0x2FFFF;
	_ =	strace $0x9FFFFFFF  }
0xc3: {  	(tm) =	ssettm $0x7FFFFFFF  }
tec
execute0_lowered:
.L_overlay_start_1:
0x0: {  	(tag) =	ssettag $0x1  }
0x1: {  	s2 =	rddreg [dreg:$0x0]  }
0x2: {  	s1 =	srdreg.scid;
	s6 =	rddreg [dreg:$0x1]  }
0x3: {  	s0 =	stileid.u32;
	s3 =	rddreg [dreg:$0x2];
	s4 =	simm.s32 $0x0  }
0x4: {  	s14 =	simm.s32 $0x5000;
	s15 =	simm.s32 $0x2;
	s16 =	simm.s32 $0x2800  }
0x5: {  	s17 =	simm.s32 $0x80;
	s18 =	simm.s32 $0x1;
	s21 =	simm.s32 $0x0  }
0x6: {  	s5 =	sand.u32 $0x1, s1;
	s26 =	sshll.u32 s0, $0x1;
	s9 =	smul.u32 $0x14000, s0  }
0x7: {  	[smem:$0x7FF] =	sst s4;
	s10 =	smul.u32 $0x50000, s0;
	s19 =	sshll.u32 s0, $0x6  }
0x8: {  	s1 =	sor.u32 s5, s26;
	s8 =	smul.u32 $0x140000, s5;
	s29 =	ssub.s32 $0x2, s5  }
0x9: {  	s19 =	sor.u32 $0x1C02, s19;
	s7 =	smul.u32 $0x500, s1;
	s1 =	rddreg [dreg:$0x3]  }
0xa: {  	_ =	strace $0x8000004A;
	s30 =	sshrl.u32 s10, $0x2;
	s31 =	sshrl.u32 s29, $0x1  }
0xb: {  	s28 =	sadd.s32 s9, s8;
	s5 =	sadd.s32 s30, s3;
	s13 =	ssub.s32 s29, s31  }
0xc: {  	s11 =	sadd.s32 s7, s6;
	s7 =	sshrl.u32 s28, $0x3;
	s8 =	sadd.s32 $0xC000, s5  }
0xd: {  	s9 =	sadd.s32 $0x10000, s5;
	s13 =	smax.u32 s13, $0x1;
	s20 =	sshrl.u32 s5, $0x3  }
0xe: {  	s12 =	sadd.s32 s7, s6;
	s6 =	sadd.s32 $0x4000, s5;
	s7 =	sadd.s32 $0x8000, s5  }
0xf: {  	v0 =	vimm.f32 $0.0e+00;
	s10 =	sadd.s32 $0x5D400, s11;
	s11 =	sadd.s32 $0x3400, s11;
	s12 =	sadd.s32 $0xD400, s12  }
.LBB2_1:
0x10: {  	s22 =	sand.u32 $0xFE00, s4  }
0x11: {  	s23 =	sand.u32 $0x70, s4;
	s24 =	sshrl.u32 s22, $0x2  }
0x12: {  	s22 =	simm.s32 $0x40;
	s24 =	sor.u32 s23, s24;
	s23 =	simm.s32 $0x0  }
.LBB2_2:
0x13: {  	p0 =	sne.s32 s22, $0xFFC0  }
0x14: {  	[tilespmem:s24+$0x5000] =	vst v0;
	s23 =	sadd.s32 $0x10, s23;
	s24 =	smov.u32 s22;
	s22 =	sadd.s32 $0x40, s22  }
.Ltmp0:
0x15: {  	(pc) =	sbr.rel @p0 .LBB2_2-.Ltmp0, $4  }
0x16: {  	_ = 	snop  }
0x17: {  	s24 =	sand.u32 $0xFE00, s24  }
0x18: {  	s25 =	sand.u32 $0x70, s23;
	s24 =	sshrl.u32 s24, $0x2  }
0x19: {  	s24 =	sor.u32 s25, s24  }
0x1a: {  	[tilespmem:s24+$0x5000] =	vst v0  }
0x1b: {  	[spmem:s5] =	stream.linear.scatter [tilespmem:s14], [sflag:$0x2], $0x4000, $0x38;
	[tilespmem:$0x1D000] =	vst v63  }
0x1c: {  	_ =	swait.ge [sflag:s15], $0x4000  }
0x1d: {  	[sflag:s15] =	ssyncset.done $0x0  }
0x1e: {  	[sflag:s15] =	ssyncadd.s32 $0xFFFFC000  }
0x1f: {  	[spmem:s6] =	stream.linear.scatter [tilespmem:s14], [sflag:$0x2], $0x4000, $0x38;
	[tilespmem:$0x1D000] =	vst v63  }
0x20: {  	_ =	swait.ge [sflag:s15], $0x4000  }
0x21: {  	[sflag:s15] =	ssyncset.done $0x0  }
0x22: {  	[sflag:s15] =	ssyncadd.s32 $0xFFFFC000  }
0x23: {  	[spmem:s7] =	stream.linear.scatter [tilespmem:s14], [sflag:$0x2], $0x4000, $0x38;
	[tilespmem:$0x1D000] =	vst v63  }
0x24: {  	_ =	swait.ge [sflag:s15], $0x4000  }
0x25: {  	[sflag:s15] =	ssyncset.done $0x0  }
0x26: {  	[sflag:s15] =	ssyncadd.s32 $0xFFFFC000  }
0x27: {  	[spmem:s8] =	stream.linear.scatter [tilespmem:s14], [sflag:$0x2], $0x4000, $0x38;
	[tilespmem:$0x1D000] =	vst v63  }
0x28: {  	_ =	swait.ge [sflag:s15], $0x4000  }
0x29: {  	[sflag:s15] =	ssyncset.done $0x0  }
0x2a: {  	[sflag:s15] =	ssyncadd.s32 $0xFFFFC000  }
0x2b: {  	[spmem:s9] =	stream.linear.scatter [tilespmem:s14], [sflag:$0x2], $0x4000, $0x38;
	[tilespmem:$0x1D000] =	vst v63  }
0x2c: {  	_ =	swait.ge [sflag:s15], $0x4000  }
0x2d: {  	[sflag:s15] =	ssyncset.done $0x0  }
0x2e: {  	s22 =	simm.s32 $0x0;
	[sflag:s15] =	ssyncadd.s32 $0xFFFFC000  }
0x2f: {  	[tilespmem:s22], [sflag:$0x2] =	stream.linear.gather [hbm4b:s10+s22], $0x2780, $0x38;
	[tilespmem:$0x1D000] =	vst v63  }
0x30: {  	_ =	swait.ge [sflag:s15], $0x2780  }
0x31: {  	[sflag:s15] =	ssyncset.done $0x0  }
0x32: {  	[sflag:s15] =	ssyncadd.s32 $0xFFFFD880  }
0x33: {  	[tilespmem:s16], [sflag:$0x2] =	stream.linear.gather [hbm4b:s11+s22], $0x2780, $0x38;
	[tilespmem:$0x1D000] =	vst v63  }
0x34: {  	_ =	swait.ge [sflag:s15], $0x2780  }
0x35: {  	[sflag:s15] =	ssyncset.done $0x0  }
0x36: {  	[sflag:s15] =	ssyncadd.s32 $0xFFFFD880  }
0x37: {  	s30 =	simm.s32 $0x0;
	[bflag:$0x0] =	sbarrier.arrive $0xFFFF  }
0x38: {  	[tilespmem:s14], [sflag:$0x1] =	stream.indirect.gather [hbm4b:s2+s17], $0x80, s30, s17, $0xb8;
	[tilespmem:$0x1D000] =	vst v63  }
0x39: {  	_ =	swait.ge [sflag:s18], $0x4000  }
0x3a: {  	[sflag:s18] =	ssyncset.done $0x0  }
0x3b: {  	s31 =	simm.s32 $0x2800;
	[sflag:s18] =	ssyncadd.s32 $0xFFFFC000  }
0x3c: {  	[spmem:s3] =	stream.indirect.scatter.add.f32 [tilespmem:s14], [sflag:$0x2], $0x80, s31, s17, $0xb8;
	[tilespmem:$0x1D000] =	vst v63  }
0x3d: {  	_ =	swait.ge [sflag:s15], $0x4000  }
0x3e: {  	s23 =	simm.s32 $0x400;
	s22 =	simm.s32 $0x200;
	[sflag:s15] =	ssyncset.done $0x0  }
.LBB2_4:
0x3f: {  	s24 =	sshra.s32 s22, $0x2  }
0x40: {  	[sflag:s15] =	ssyncadd.s32 $0xFFFFC000;
	s22 =	smov.u32 s23;
	s25 =	sadd.s32 $0x200, s23  }
0x41: {  	[tilespmem:s14], [sflag:$0x1] =	stream.indirect.gather [hbm4b:s2+s17], $0x80, s24, s17, $0xb8;
	[tilespmem:$0x1D000] =	vst v63  }
0x42: {  	p0 =	sne.s32 s23, $0x9C00;
	_ =	swait.ge [sflag:s18], $0x4000  }
.Ltmp1:
0x43: {  	[sflag:s18] =	ssyncset.done $0x0;
	(pc) =	sbr.rel @p0 .LBB2_4-.Ltmp1, $4  }
0x44: {  	s23 =	sadd.s32 $0x2800, s24;
	[sflag:s18] =	ssyncadd.s32 $0xFFFFC000  }
0x45: {  	[spmem:s3] =	stream.indirect.scatter.add.f32 [tilespmem:s14], [sflag:$0x2], $0x80, s23, s17, $0xb8;
	[tilespmem:$0x1D000] =	vst v63  }
0x46: {  	_ =	swait.ge [sflag:s15], $0x4000  }
0x47: {  	s23 =	smov.u32 s25;
	[sflag:s15] =	ssyncset.done $0x0  }
0x48: {  	s22 =	sshra.s32 s22, $0x2;
	[sflag:s15] =	ssyncadd.s32 $0xFFFFC000  }
0x49: {  	[tilespmem:s14], [sflag:$0x1] =	stream.indirect.gather [hbm4b:s2+s17], $0x80, s22, s17, $0xb8;
	[tilespmem:$0x1D000] =	vst v63  }
0x4a: {  	_ =	swait.ge [sflag:s18], $0x4000  }
0x4b: {  	[sflag:s18] =	ssyncset.done $0x0  }
0x4c: {  	s22 =	sadd.s32 $0x2800, s22;
	[sflag:s18] =	ssyncadd.s32 $0xFFFFC000  }
0x4d: {  	[spmem:s3] =	stream.indirect.scatter.add.f32 [tilespmem:s14], [sflag:$0x2], $0x80, s22, s17, $0xb8;
	[tilespmem:$0x1D000] =	vst v63  }
0x4e: {  	_ =	swait.ge [sflag:s15], $0x4000  }
0x4f: {  	s21 =	sadd.s32 $0x1, s21;
	[sflag:s15] =	ssyncset.done $0x0  }
0x50: {  	p0 =	sne.s32 s21, s13;
	[sflag:s15] =	ssyncadd.s32 $0xFFFFC000  }
.Ltmp2:
0x51: {  	[bflag:$0x0] =	sbarrier.arrive $0xFFFF;
	(pc) =	sbr.rel @p0 .LBB2_1-.Ltmp2, $4  }
0x52: {  	[hbm:s12], [sflag:s19] =	dma.local [spmem:s20], $0x2800  }
0x53: {  	_ =	swait.ge [sflag:s15], $0x2800  }
0x54: {  	[sflag:s15] =	ssyncset.done $0x0  }
0x55: {  	[sflag:s15] =	ssyncadd.s32 $0xFFFFD800  }
0x56: {  	_ =	sfence.sel $0x180000  }
0x57: {  	[bflag:$0x0] =	sbarrier.arrive $0xFFFF  }
0x58: {  	p0 =	sne.s32 s0, $0x0;
	_ =	strace $0x9000004A  }
0x59: {  	s0 =	sadd.s32 @!p0 $0x100000, s1;
	[bflag:$0x2] =	sbarrier.arrive $0xFFFF  }
0x5a: {  	[sflag:s0] =	ssyncadd.tile.s32 @!p0 $0x1;
	_ =	shalt  }
.Lfunc_end2:
_tile_overlayer_lowered:
.L_overlay_start_2:
0x5b: {  	(tag) =	ssettag $0x2  }
0x5c: {  	s0 =	rddreg [dreg:$0x0];
	s2 =	stileid.u32  }
0x5d: {  	s1 =	rddreg [dreg:$0x1];
	p0 =	sne.s32 s2, $0x0  }
0x5e: {  	s3 =	rddreg [dreg:$0x2];
	[bflag:$0x3] =	sbarrier.arrive $0xFFFF;
	s2 =	simm.s32 @!p0 $0x1C02  }
0x5f: {  	[timem:s3], [sflag:s2] =	dma.local @!p0 [hbm:s0], s1  }
0x60: {  	s0 =	simm.s32 @!p0 $0x2  }
0x61: {  	_ =	swait.ge @!p0 [sflag:s0], s1  }
0x62: {  	s1 =	ssub.s32 @!p0 $0x0, s1;
	[sflag:s0] =	ssyncset.done @!p0 $0x0  }
0x63: {  	[sflag:s0] =	ssyncadd.s32 @!p0 s1  }
0x64: {  	[bflag:$0x3] =	sbarrier.arrive $0xFFFF  }
0x65: {  	_ =	shalt  }

// kernel: kernel.14.cloned.1.call-start
scs
__scs_entry_jumppad:
0x0: {  	(pc) =	sbr.rel $0x88, $3  }
0x1: {  	(tag) =	ssettag $0x0;
	lr =	simm.s32 $0x1  }
0x2: {  	[smem:$0x3F93] =	sst lr;
	_ =	strace $0xD0000000  }
0x3: {  	_ = 	snop  }
0x4: {  	_ = 	snop  }
0x5: {  	_ = 	snop  }
0x6: {  	_ = 	snop  }
0x7: {  	_ = 	snop  }
__scs_overlays_trampoline_lowered:
0x8: {  	[smem:$0x3FA2] =	sst s0  }
0x9: {  	[smem:$0x3FA3] =	sst s1  }
0xa: {  	[smem:$0x3FA4] =	sst s2  }
0xb: {  	[smem:$0x3FA5] =	sst s3  }
0xc: {  	[smem:$0x3FA6] =	sst s4  }
0xd: {  	[smem:$0x3FA7] =	sst s5  }
0xe: {  	[smem:$0x3FA8] =	sst s6  }
0xf: {  	[smem:$0x3FA9] =	sst s7  }
0x10: {  	[smem:$0x3FAA] =	sst s8  }
0x11: {  	[smem:$0x3FAB] =	sst s9;
	s0 =	simm.s32 @!p0 $0x0  }
0x12: {  	s1 =	sld [smem:$0x3F91];
	s0 =	simm.s32 @p0 $0x1  }
0x13: {  	[smem:$0x3FAC] =	sst s0;
	s0 =	simm.s32 @!p1 $0x0  }
0x14: {  	s2 =	sld [smem:$0x3F90];
	s0 =	simm.s32 @p1 $0x1  }
0x15: {  	[smem:$0x3FAD] =	sst s0;
	s0 =	simm.s32 @!p2 $0x0  }
0x16: {  	s3 =	sld [smem:$0x3FDB];
	s0 =	simm.s32 @p2 $0x1  }
0x17: {  	s4 =	simm.s32 $0x1BF5;
	[smem:$0x3FAF] =	sst s0  }
0x18: {  	s0 =	sld [smem:$0x3F92];
	_ =	swait.ge [sflag:s4], $0x0  }
0x19: {  	s7 =	sld [smem:$0x3F93]  }
0x1a: {  	s8 =	sadd.s32 $0xFFFFE003, lr  }
0x1b: {  	s9 =	sadd.s32 $0xFFFFFEF7, lr;
	s5 =	simm.s32 $0xFFFFFFFF;
	p2 =	slt.u32 s8, $0xFFFFF086  }
0x1c: {  	p1 =	slt.u32 s9, $0xF7A;
	s5 =	simm.s32 @!p2 $0x0  }
0x1d: {  	s5 =	simm.s32 @p1 $0x1;
	p0 =	seq.s32 s7, s2  }
0x1e: {  	s7 =	smul.u32 @!p0 $0xF7A, s2;
	p2 =	seq.s32 @!p0 s5, $0x0  }
0x1f: {  	s9 =	smul.u32 $0xF7A, s1;
	s8 =	simm.s32 @!p0 $0x1BF5;
	p2 =	por !p2, p0  }
0x20: {  	[sflag:s8] =	ssyncset.s32 @!p0 $0xFFFFF086;
	s6 =	sadd.s32 @!p0 s3, s7;
	s7 =	simm.s32 @!p0 $0x108  }
0x21: {  	s3 =	sadd.s32 s3, s9;
	s6 =	sadd.s32 @!p0 $0x88, s6;
	s7 =	simm.s32 @p2 $0x1082  }
0x22: {  	[simem:s7], [sflag:s8] =	dma.local @!p0 [hbm:s6], $0xF7A  }
0x23: {  	s9 =	sor.u32 $0xD0000000, s2;
	s6 =	simm.s32 $0x108;
	_ =	swait.ge @!p0 [sflag:s8], $0x0  }
0x24: {  	s3 =	sadd.s32 $0x88, s3;
	s6 =	simm.s32 @!p1 $0x1082;
	[sflag:s4] =	ssyncset.s32 $0xFFFFF086  }
0x25: {  	[simem:s6], [sflag:s4] =	dma.local [hbm:s3], $0xF7A  }
0x26: {  	[smem:$0x3F93] =	sst s1;
	(tag) =	ssettag s2;
	_ =	strace s9  }
0x27: {  	s1 =	sld [smem:$0x3FA3]  }
0x28: {  	s2 =	sld [smem:$0x3FA4]  }
0x29: {  	s4 =	sld [smem:$0x3FA6]  }
0x2a: {  	p0 =	seq.s32 s5, $0x0;
	s5 =	sld [smem:$0x3FA7]  }
0x2b: {  	s6 =	sld [smem:$0x3FA8]  }
0x2c: {  	s7 =	sld [smem:$0x3FA9]  }
0x2d: {  	s3 =	simm.s32 $0x108;
	s8 =	sld [smem:$0x3FAA]  }
0x2e: {  	s3 =	simm.s32 @!p0 $0x1082;
	s9 =	sld [smem:$0x3FAB]  }
0x2f: {  	lr =	sadd.s32 s0, s3;
	s0 =	sld [smem:$0x3FA2]  }
0x30: {  	s3 =	sld [smem:$0x3FA5]  }
0x31: {  	[smem:$0x3FAE] =	sst s10  }
0x32: {  	s10 =	sld [smem:$0x3FAC];
	_ =	sdelay $0x3  }
0x33: {  	p0 =	seq.s32 s10, $0x1;
	s10 =	sld [smem:$0x3FAE];
	_ =	sdelay $0x3  }
0x34: {  	[smem:$0x3FAE] =	sst s10  }
0x35: {  	s10 =	sld [smem:$0x3FAD];
	_ =	sdelay $0x3  }
0x36: {  	p1 =	seq.s32 s10, $0x1;
	s10 =	sld [smem:$0x3FAE];
	_ =	sdelay $0x3  }
0x37: {  	[smem:$0x3FAE] =	sst s10  }
0x38: {  	s10 =	sld [smem:$0x3FAF]  }
0x39: {  	_ = 	snop;
	(pc) =	sbr.ind lr, $3  }
0x3a: {  	_ = 	snop  }
0x3b: {  	_ = 	snop  }
0x3c: {  	p2 =	seq.s32 s10, $0x1;
	s10 =	sld [smem:$0x3FAE]  }
0x3d: {  	_ =	shalt  }
0x3e: {  	_ =	shalt  }
0x3f: {  	_ =	shalt  }
0x40: {  	_ =	shalt  }
0x41: {  	_ =	shalt  }
0x42: {  	_ =	shalt  }
0x43: {  	_ =	shalt  }
0x44: {  	_ =	shalt  }
0x45: {  	_ =	shalt  }
0x46: {  	_ =	shalt  }
0x47: {  	_ =	shalt  }
0x48: {  	_ =	shalt  }
0x49: {  	_ =	shalt  }
0x4a: {  	_ =	shalt  }
0x4b: {  	_ =	shalt  }
0x4c: {  	_ =	shalt  }
0x4d: {  	_ =	shalt  }
0x4e: {  	_ =	shalt  }
0x4f: {  	_ =	shalt  }
0x50: {  	_ =	shalt  }
0x51: {  	_ =	shalt  }
0x52: {  	_ =	shalt  }
0x53: {  	_ =	shalt  }
0x54: {  	_ =	shalt  }
0x55: {  	_ =	shalt  }
0x56: {  	_ =	shalt  }
0x57: {  	_ =	shalt  }
0x58: {  	_ =	shalt  }
0x59: {  	_ =	shalt  }
0x5a: {  	_ =	shalt  }
0x5b: {  	_ =	shalt  }
0x5c: {  	_ =	shalt  }
0x5d: {  	_ =	shalt  }
0x5e: {  	_ =	shalt  }
0x5f: {  	_ =	shalt  }
0x60: {  	_ =	shalt  }
0x61: {  	_ =	shalt  }
0x62: {  	_ =	shalt  }
0x63: {  	_ =	shalt  }
0x64: {  	_ =	shalt  }
0x65: {  	_ =	shalt  }
0x66: {  	_ =	shalt  }
0x67: {  	_ =	shalt  }
0x68: {  	_ =	shalt  }
0x69: {  	_ =	shalt  }
0x6a: {  	_ =	shalt  }
0x6b: {  	_ =	shalt  }
0x6c: {  	_ =	shalt  }
0x6d: {  	_ =	shalt  }
0x6e: {  	_ =	shalt  }
0x6f: {  	_ =	shalt  }
0x70: {  	_ =	shalt  }
0x71: {  	_ =	shalt  }
0x72: {  	_ =	shalt  }
0x73: {  	_ =	shalt  }
0x74: {  	_ =	shalt  }
0x75: {  	_ =	shalt  }
0x76: {  	_ =	shalt  }
0x77: {  	_ =	shalt  }
0x78: {  	_ =	shalt  }
0x79: {  	_ =	shalt  }
0x7a: {  	_ =	shalt  }
0x7b: {  	_ =	shalt  }
0x7c: {  	_ =	shalt  }
0x7d: {  	_ =	shalt  }
0x7e: {  	_ =	shalt  }
0x7f: {  	_ =	shalt  }
0x80: {  	_ =	shalt  }
0x81: {  	_ =	shalt  }
0x82: {  	_ =	shalt  }
0x83: {  	_ =	shalt  }
0x84: {  	_ =	shalt  }
0x85: {  	_ =	shalt  }
0x86: {  	_ =	shalt  }
0x87: {  	_ =	shalt  }
.Lfunc_end0:
.L_simem_size_0:
called_computation.2_lowered:
.L_overlay_start_0:
0x88: {  	s2 =	sld [smem:$0x3FD9]  }
0x89: {  	s3 =	sld [smem:$0x3FFE];
	_ =	sdelay $0x1  }
0x8a: {  	s1 =	srdreg.scid  }
0x8b: {  	s0 =	sand.u32 $0x1, s1  }
0x8c: {  	s17 =	sshll.u32 s0, $0xA;
	s2 =	sadd.s32 s3, s2  }
0x8d: {  	s2 =	sadd.s32 s2, s17  }
0x8e: {  	[smem:$0x3FBA] =	sst s2  }
0x8f: {  	_ = 	snop  }
0x90: {  	s2 =	sld [smem:$0x3FD0];
	(tm) =	ssettm $0x1  }
0x91: {  	s18 =	sld [smem:$0x3FFB];
	_ =	sdelay $0x3  }
0x92: {  	_ =	strace s18  }
0x93: {  	s3 =	sld [smem:$0x3FFC];
	_ =	sdelay $0x3  }
0x94: {  	_ =	strace s3  }
0x95: {  	s3 =	sld [smem:$0x3FFD];
	_ =	sdelay $0x3  }
0x96: {  	_ =	strace s3  }
0x97: {  	_ =	strace $0x8FFFFFFF  }
0x98: {  	s19 =	sld [smem:$0x3FDB];
	_ =	sdelay $0x1  }
0x99: {  	s4 =	simm.s32 $_scs_section_size  }
0x9a: {  	s5 =	simm.s32 $_size__tile_overlayer_lowered;
	s6 =	simm.s32 $_tile_overlayer_lowered  }
0x9b: {  	s22 =	simm.s32 $0x1BFF;
	s21 =	sshll.u32 s6, $0x1;
	s3 =	sadd.s32 s4, s19  }
0x9c: {  	s7 =	simm.s32 $0x0;
	s20 =	sshll.u32 s5, $0x1;
	s5 =	sadd.s32 s21, s3  }
0x9d: {  	[timem:s7], [sflag:s22] =	dma.local [hbm:s5], s20  }
0x9e: {  	_ =	swait.ge [sflag:s22], s20  }
0x9f: {  	s4 =	ssub.s32 $0x0, s20;
	[sflag:s22] =	ssyncset.done $0x0  }
0xa0: {  	[sflag:s22] =	ssyncadd.s32 s4;
	_ =	sdelay $0x1  }
0xa1: {  	s23 =	simm.s32 $0x1B8B  }
0xa2: {  	_ =	swait.ge [sflag:s23], $0x1  }
0xa3: {  	[sflag:s23] =	ssyncset.done $0x0  }
0xa4: {  	s25 =	simm.s32 $0x1B8E;
	s24 =	sld [smem:$0x3FFE];
	[sflag:s23] =	ssyncadd.s32 $0xFFFFFFFF  }
0xa5: {  	s26 =	simm.s32 $execute0_lowered;
	[smem:$0x3FD2] =	sst s25  }
0xa6: {  	s5 =	sshll.u32 s26, $0x1;
	_ =	strace $0x8000004C;
	[dreg:$0x1] =	wrdreg $0xFFFFFFFF  }
0xa7: {  	s28 =	simm.s32 $_size_execute0_lowered;
	s3 =	sadd.s32 s3, s5;
	[dreg:$0x0] =	wrdreg $0x0  }
0xa8: {  	s5 =	sshll.u32 s28, $0x1;
	[dreg:$0x2] =	wrdreg s3  }
0xa9: {  	[dreg:$0x3] =	wrdreg s5  }
0xaa: {  	[dreg:$0x4] =	wrdreg $0xC0  }
0xab: {  	_ =	task [dreg:s7], $0x5FFFF  }
0xac: {  	[dreg:$0x1] =	wrdreg $0xFFFFFFFF  }
0xad: {  	[dreg:$0x0] =	wrdreg $0x60  }
0xae: {  	[dreg:$0x2] =	wrdreg s2  }
0xaf: {  	[dreg:$0x3] =	wrdreg s24  }
0xb0: {  	[dreg:$0x4] =	wrdreg $0x90000  }
0xb1: {  	[dreg:$0x5] =	wrdreg $0x9  }
0xb2: {  	_ =	task.clear_ibuf [dreg:s7], $0x6FFFF;
	_ =	strace $0x9000004C  }
0xb3: {  	s29 =	simm.s32 $0x9;
	_ =	strace $0x8000004E  }
0xb4: {  	_ =	swait.ge [sflag:s29], $0x1  }
0xb5: {  	[sflag:s29] =	ssyncadd.s32 $0xFFFFFFFF  }
0xb6: {  	_ =	strace $0x9000004E  }
0xb7: {  	_ =	sfence  }
0xb8: {  	s30 =	sld [smem:$0x0];
	_ =	sdelay $0x2  }
0xb9: {  	s31 =	sshll.u32 s1, $0xD;
	s1 =	sshrl.u32 s1, $0x2  }
0xba: {  	s3 =	sand.u32 $0x4000, s31;
	s1 =	sadd.s32 s1, s30  }
0xbb: {  	s0 =	sor.u32 s3, s0;
	s1 =	sshll.u32 s1, $0x11  }
0xbc: {  	s0 =	sor.u32 s1, s0  }
0xbd: {  	s0 =	sadd.s32 $0x8F2B, s0  }
0xbe: {  	[sflag:s0] =	ssyncadd.remote.s32 $0x1  }
0xbf: {  	_ =	sfence.sel $0xFFFF  }
0xc0: {  	[dreg:$0x0] =	wrdreg $0xFFFFFFFF;
	(pc) =	sbr.abs _section_cstart, $3  }
0xc1: {  	[dreg:$0x1] =	wrdreg $0xFFFFFFFF  }
0xc2: {  	_ =	task.clear_ibuf [dreg:s7], $0x2FFFF;
	_ =	strace $0x9FFFFFFF  }
0xc3: {  	(tm) =	ssettm $0x7FFFFFFF  }
tec
execute0_lowered:
.L_overlay_start_1:
0x0: {  	(tag) =	ssettag $0x1  }
0x1: {  	s2 =	rddreg [dreg:$0x0]  }
0x2: {  	s1 =	srdreg.scid;
	s6 =	rddreg [dreg:$0x1]  }
0x3: {  	s0 =	stileid.u32;
	s3 =	rddreg [dreg:$0x2];
	s4 =	simm.s32 $0x0  }
0x4: {  	s14 =	simm.s32 $0x5000;
	s15 =	simm.s32 $0x2;
	s16 =	simm.s32 $0x2800  }
0x5: {  	s17 =	simm.s32 $0x80;
	s18 =	simm.s32 $0x1;
	s21 =	simm.s32 $0x0  }
0x6: {  	s5 =	sand.u32 $0x1, s1;
	s26 =	sshll.u32 s0, $0x1;
	s9 =	smul.u32 $0x14000, s0  }
0x7: {  	[smem:$0x7FF] =	sst s4;
	s10 =	smul.u32 $0x50000, s0;
	s19 =	sshll.u32 s0, $0x6  }
0x8: {  	s1 =	sor.u32 s5, s26;
	s8 =	smul.u32 $0x140000, s5;
	s29 =	ssub.s32 $0x2, s5  }
0x9: {  	s19 =	sor.u32 $0x1C02, s19;
	s7 =	smul.u32 $0x500, s1;
	s1 =	rddreg [dreg:$0x3]  }
0xa: {  	_ =	strace $0x8000004D;
	s30 =	sshrl.u32 s10, $0x2;
	s31 =	sshrl.u32 s29, $0x1  }
0xb: {  	s28 =	sadd.s32 s9, s8;
	s5 =	sadd.s32 s30, s3;
	s13 =	ssub.s32 s29, s31  }
0xc: {  	s11 =	sadd.s32 s7, s6;
	s7 =	sshrl.u32 s28, $0x3;
	s8 =	sadd.s32 $0xC000, s5  }
0xd: {  	s9 =	sadd.s32 $0x10000, s5;
	s13 =	smax.u32 s13, $0x1;
	s20 =	sshrl.u32 s5, $0x3  }
0xe: {  	s12 =	sadd.s32 s7, s6;
	s6 =	sadd.s32 $0x4000, s5;
	s7 =	sadd.s32 $0x8000, s5  }
0xf: {  	v0 =	vimm.f32 $0.0e+00;
	s10 =	sadd.s32 $0x5D400, s11;
	s11 =	sadd.s32 $0x3400, s11;
	s12 =	sadd.s32 $0xD400, s12  }
.LBB2_1:
0x10: {  	s22 =	sand.u32 $0xFE00, s4  }
0x11: {  	s23 =	sand.u32 $0x70, s4;
	s24 =	sshrl.u32 s22, $0x2  }
0x12: {  	s22 =	simm.s32 $0x40;
	s24 =	sor.u32 s23, s24;
	s23 =	simm.s32 $0x0  }
.LBB2_2:
0x13: {  	p0 =	sne.s32 s22, $0xFFC0  }
0x14: {  	[tilespmem:s24+$0x5000] =	vst v0;
	s23 =	sadd.s32 $0x10, s23;
	s24 =	smov.u32 s22;
	s22 =	sadd.s32 $0x40, s22  }
.Ltmp0:
0x15: {  	(pc) =	sbr.rel @p0 .LBB2_2-.Ltmp0, $4  }
0x16: {  	_ = 	snop  }
0x17: {  	s24 =	sand.u32 $0xFE00, s24  }
0x18: {  	s25 =	sand.u32 $0x70, s23;
	s24 =	sshrl.u32 s24, $0x2  }
0x19: {  	s24 =	sor.u32 s25, s24  }
0x1a: {  	[tilespmem:s24+$0x5000] =	vst v0  }
0x1b: {  	[spmem:s5] =	stream.linear.scatter [tilespmem:s14], [sflag:$0x2], $0x4000, $0x38;
	[tilespmem:$0x1D000] =	vst v63  }
0x1c: {  	_ =	swait.ge [sflag:s15], $0x4000  }
0x1d: {  	[sflag:s15] =	ssyncset.done $0x0  }
0x1e: {  	[sflag:s15] =	ssyncadd.s32 $0xFFFFC000  }
0x1f: {  	[spmem:s6] =	stream.linear.scatter [tilespmem:s14], [sflag:$0x2], $0x4000, $0x38;
	[tilespmem:$0x1D000] =	vst v63  }
0x20: {  	_ =	swait.ge [sflag:s15], $0x4000  }
0x21: {  	[sflag:s15] =	ssyncset.done $0x0  }
0x22: {  	[sflag:s15] =	ssyncadd.s32 $0xFFFFC000  }
0x23: {  	[spmem:s7] =	stream.linear.scatter [tilespmem:s14], [sflag:$0x2], $0x4000, $0x38;
	[tilespmem:$0x1D000] =	vst v63  }
0x24: {  	_ =	swait.ge [sflag:s15], $0x4000  }
0x25: {  	[sflag:s15] =	ssyncset.done $0x0  }
0x26: {  	[sflag:s15] =	ssyncadd.s32 $0xFFFFC000  }
0x27: {  	[spmem:s8] =	stream.linear.scatter [tilespmem:s14], [sflag:$0x2], $0x4000, $0x38;
	[tilespmem:$0x1D000] =	vst v63  }
0x28: {  	_ =	swait.ge [sflag:s15], $0x4000  }
0x29: {  	[sflag:s15] =	ssyncset.done $0x0  }
0x2a: {  	[sflag:s15] =	ssyncadd.s32 $0xFFFFC000  }
0x2b: {  	[spmem:s9] =	stream.linear.scatter [tilespmem:s14], [sflag:$0x2], $0x4000, $0x38;
	[tilespmem:$0x1D000] =	vst v63  }
0x2c: {  	_ =	swait.ge [sflag:s15], $0x4000  }
0x2d: {  	[sflag:s15] =	ssyncset.done $0x0  }
0x2e: {  	s22 =	simm.s32 $0x0;
	[sflag:s15] =	ssyncadd.s32 $0xFFFFC000  }
0x2f: {  	[tilespmem:s22], [sflag:$0x2] =	stream.linear.gather [hbm4b:s10+s22], $0x2780, $0x38;
	[tilespmem:$0x1D000] =	vst v63  }
0x30: {  	_ =	swait.ge [sflag:s15], $0x2780  }
0x31: {  	[sflag:s15] =	ssyncset.done $0x0  }
0x32: {  	[sflag:s15] =	ssyncadd.s32 $0xFFFFD880  }
0x33: {  	[tilespmem:s16], [sflag:$0x2] =	stream.linear.gather [hbm4b:s11+s22], $0x2780, $0x38;
	[tilespmem:$0x1D000] =	vst v63  }
0x34: {  	_ =	swait.ge [sflag:s15], $0x2780  }
0x35: {  	[sflag:s15] =	ssyncset.done $0x0  }
0x36: {  	[sflag:s15] =	ssyncadd.s32 $0xFFFFD880  }
0x37: {  	s30 =	simm.s32 $0x0;
	[bflag:$0x0] =	sbarrier.arrive $0xFFFF  }
0x38: {  	[tilespmem:s14], [sflag:$0x1] =	stream.indirect.gather [hbm4b:s2+s17], $0x80, s30, s17, $0xb8;
	[tilespmem:$0x1D000] =	vst v63  }
0x39: {  	_ =	swait.ge [sflag:s18], $0x4000  }
0x3a: {  	[sflag:s18] =	ssyncset.done $0x0  }
0x3b: {  	s31 =	simm.s32 $0x2800;
	[sflag:s18] =	ssyncadd.s32 $0xFFFFC000  }
0x3c: {  	[spmem:s3] =	stream.indirect.scatter.add.f32 [tilespmem:s14], [sflag:$0x2], $0x80, s31, s17, $0xb8;
	[tilespmem:$0x1D000] =	vst v63  }
0x3d: {  	_ =	swait.ge [sflag:s15], $0x4000  }
0x3e: {  	s23 =	simm.s32 $0x400;
	s22 =	simm.s32 $0x200;
	[sflag:s15] =	ssyncset.done $0x0  }
.LBB2_4:
0x3f: {  	s24 =	sshra.s32 s22, $0x2  }
0x40: {  	[sflag:s15] =	ssyncadd.s32 $0xFFFFC000;
	s22 =	smov.u32 s23;
	s25 =	sadd.s32 $0x200, s23  }
0x41: {  	[tilespmem:s14], [sflag:$0x1] =	stream.indirect.gather [hbm4b:s2+s17], $0x80, s24, s17, $0xb8;
	[tilespmem:$0x1D000] =	vst v63  }
0x42: {  	p0 =	sne.s32 s23, $0x9C00;
	_ =	swait.ge [sflag:s18], $0x4000  }
.Ltmp1:
0x43: {  	[sflag:s18] =	ssyncset.done $0x0;
	(pc) =	sbr.rel @p0 .LBB2_4-.Ltmp1, $4  }
0x44: {  	s23 =	sadd.s32 $0x2800, s24;
	[sflag:s18] =	ssyncadd.s32 $0xFFFFC000  }
0x45: {  	[spmem:s3] =	stream.indirect.scatter.add.f32 [tilespmem:s14], [sflag:$0x2], $0x80, s23, s17, $0xb8;
	[tilespmem:$0x1D000] =	vst v63  }
0x46: {  	_ =	swait.ge [sflag:s15], $0x4000  }
0x47: {  	s23 =	smov.u32 s25;
	[sflag:s15] =	ssyncset.done $0x0  }
0x48: {  	s22 =	sshra.s32 s22, $0x2;
	[sflag:s15] =	ssyncadd.s32 $0xFFFFC000  }
0x49: {  	[tilespmem:s14], [sflag:$0x1] =	stream.indirect.gather [hbm4b:s2+s17], $0x80, s22, s17, $0xb8;
	[tilespmem:$0x1D000] =	vst v63  }
0x4a: {  	_ =	swait.ge [sflag:s18], $0x4000  }
0x4b: {  	[sflag:s18] =	ssyncset.done $0x0  }
0x4c: {  	s22 =	sadd.s32 $0x2800, s22;
	[sflag:s18] =	ssyncadd.s32 $0xFFFFC000  }
0x4d: {  	[spmem:s3] =	stream.indirect.scatter.add.f32 [tilespmem:s14], [sflag:$0x2], $0x80, s22, s17, $0xb8;
	[tilespmem:$0x1D000] =	vst v63  }
0x4e: {  	_ =	swait.ge [sflag:s15], $0x4000  }
0x4f: {  	s21 =	sadd.s32 $0x1, s21;
	[sflag:s15] =	ssyncset.done $0x0  }
0x50: {  	p0 =	sne.s32 s21, s13;
	[sflag:s15] =	ssyncadd.s32 $0xFFFFC000  }
.Ltmp2:
0x51: {  	[bflag:$0x0] =	sbarrier.arrive $0xFFFF;
	(pc) =	sbr.rel @p0 .LBB2_1-.Ltmp2, $4  }
0x52: {  	[hbm:s12], [sflag:s19] =	dma.local [spmem:s20], $0x2800  }
0x53: {  	_ =	swait.ge [sflag:s15], $0x2800  }
0x54: {  	[sflag:s15] =	ssyncset.done $0x0  }
0x55: {  	[sflag:s15] =	ssyncadd.s32 $0xFFFFD800  }
0x56: {  	_ =	sfence.sel $0x180000  }
0x57: {  	[bflag:$0x0] =	sbarrier.arrive $0xFFFF  }
0x58: {  	p0 =	sne.s32 s0, $0x0;
	_ =	strace $0x9000004D  }
0x59: {  	s0 =	sadd.s32 @!p0 $0x100000, s1;
	[bflag:$0x2] =	sbarrier.arrive $0xFFFF  }
0x5a: {  	[sflag:s0] =	ssyncadd.tile.s32 @!p0 $0x1;
	_ =	shalt  }
.Lfunc_end2:
_tile_overlayer_lowered:
.L_overlay_start_2:
0x5b: {  	(tag) =	ssettag $0x2  }
0x5c: {  	s0 =	rddreg [dreg:$0x0];
	s2 =	stileid.u32  }
0x5d: {  	s1 =	rddreg [dreg:$0x1];
	p0 =	sne.s32 s2, $0x0  }
0x5e: {  	s3 =	rddreg [dreg:$0x2];
	[bflag:$0x3] =	sbarrier.arrive $0xFFFF;
	s2 =	simm.s32 @!p0 $0x1C02  }
0x5f: {  	[timem:s3], [sflag:s2] =	dma.local @!p0 [hbm:s0], s1  }
0x60: {  	s0 =	simm.s32 @!p0 $0x2  }
0x61: {  	_ =	swait.ge @!p0 [sflag:s0], s1  }
0x62: {  	s1 =	ssub.s32 @!p0 $0x0, s1;
	[sflag:s0] =	ssyncset.done @!p0 $0x0  }
0x63: {  	[sflag:s0] =	ssyncadd.s32 @!p0 s1  }
0x64: {  	[bflag:$0x3] =	sbarrier.arrive $0xFFFF  }
0x65: {  	_ =	shalt  }

// kernel: kernel.8.cloned.1.call-start
scs
__scs_entry_jumppad:
0x0: {  	(pc) =	sbr.rel $0x88, $3  }
0x1: {  	(tag) =	ssettag $0x0;
	lr =	simm.s32 $0x1  }
0x2: {  	[smem:$0x3F93] =	sst lr;
	_ =	strace $0xD0000000  }
0x3: {  	_ = 	snop  }
0x4: {  	_ = 	snop  }
0x5: {  	_ = 	snop  }
0x6: {  	_ = 	snop  }
0x7: {  	_ = 	snop  }
__scs_overlays_trampoline_lowered:
0x8: {  	[smem:$0x3FA2] =	sst s0  }
0x9: {  	[smem:$0x3FA3] =	sst s1  }
0xa: {  	[smem:$0x3FA4] =	sst s2  }
0xb: {  	[smem:$0x3FA5] =	sst s3  }
0xc: {  	[smem:$0x3FA6] =	sst s4  }
0xd: {  	[smem:$0x3FA7] =	sst s5  }
0xe: {  	[smem:$0x3FA8] =	sst s6  }
0xf: {  	[smem:$0x3FA9] =	sst s7  }
0x10: {  	[smem:$0x3FAA] =	sst s8  }
0x11: {  	[smem:$0x3FAB] =	sst s9;
	s0 =	simm.s32 @!p0 $0x0  }
0x12: {  	s1 =	sld [smem:$0x3F91];
	s0 =	simm.s32 @p0 $0x1  }
0x13: {  	[smem:$0x3FAC] =	sst s0;
	s0 =	simm.s32 @!p1 $0x0  }
0x14: {  	s2 =	sld [smem:$0x3F90];
	s0 =	simm.s32 @p1 $0x1  }
0x15: {  	[smem:$0x3FAD] =	sst s0;
	s0 =	simm.s32 @!p2 $0x0  }
0x16: {  	s3 =	sld [smem:$0x3FDB];
	s0 =	simm.s32 @p2 $0x1  }
0x17: {  	s4 =	simm.s32 $0x1BF5;
	[smem:$0x3FAF] =	sst s0  }
0x18: {  	s0 =	sld [smem:$0x3F92];
	_ =	swait.ge [sflag:s4], $0x0  }
0x19: {  	s7 =	sld [smem:$0x3F93]  }
0x1a: {  	s8 =	sadd.s32 $0xFFFFE003, lr  }
0x1b: {  	s9 =	sadd.s32 $0xFFFFFEF7, lr;
	s5 =	simm.s32 $0xFFFFFFFF;
	p2 =	slt.u32 s8, $0xFFFFF086  }
0x1c: {  	p1 =	slt.u32 s9, $0xF7A;
	s5 =	simm.s32 @!p2 $0x0  }
0x1d: {  	s5 =	simm.s32 @p1 $0x1;
	p0 =	seq.s32 s7, s2  }
0x1e: {  	s7 =	smul.u32 @!p0 $0xF7A, s2;
	p2 =	seq.s32 @!p0 s5, $0x0  }
0x1f: {  	s9 =	smul.u32 $0xF7A, s1;
	s8 =	simm.s32 @!p0 $0x1BF5;
	p2 =	por !p2, p0  }
0x20: {  	[sflag:s8] =	ssyncset.s32 @!p0 $0xFFFFF086;
	s6 =	sadd.s32 @!p0 s3, s7;
	s7 =	simm.s32 @!p0 $0x108  }
0x21: {  	s3 =	sadd.s32 s3, s9;
	s6 =	sadd.s32 @!p0 $0x88, s6;
	s7 =	simm.s32 @p2 $0x1082  }
0x22: {  	[simem:s7], [sflag:s8] =	dma.local @!p0 [hbm:s6], $0xF7A  }
0x23: {  	s9 =	sor.u32 $0xD0000000, s2;
	s6 =	simm.s32 $0x108;
	_ =	swait.ge @!p0 [sflag:s8], $0x0  }
0x24: {  	s3 =	sadd.s32 $0x88, s3;
	s6 =	simm.s32 @!p1 $0x1082;
	[sflag:s4] =	ssyncset.s32 $0xFFFFF086  }
0x25: {  	[simem:s6], [sflag:s4] =	dma.local [hbm:s3], $0xF7A  }
0x26: {  	[smem:$0x3F93] =	sst s1;
	(tag) =	ssettag s2;
	_ =	strace s9  }
0x27: {  	s1 =	sld [smem:$0x3FA3]  }
0x28: {  	s2 =	sld [smem:$0x3FA4]  }
0x29: {  	s4 =	sld [smem:$0x3FA6]  }
0x2a: {  	p0 =	seq.s32 s5, $0x0;
	s5 =	sld [smem:$0x3FA7]  }
0x2b: {  	s6 =	sld [smem:$0x3FA8]  }
0x2c: {  	s7 =	sld [smem:$0x3FA9]  }
0x2d: {  	s3 =	simm.s32 $0x108;
	s8 =	sld [smem:$0x3FAA]  }
0x2e: {  	s3 =	simm.s32 @!p0 $0x1082;
	s9 =	sld [smem:$0x3FAB]  }
0x2f: {  	lr =	sadd.s32 s0, s3;
	s0 =	sld [smem:$0x3FA2]  }
0x30: {  	s3 =	sld [smem:$0x3FA5]  }
0x31: {  	[smem:$0x3FAE] =	sst s10  }
0x32: {  	s10 =	sld [smem:$0x3FAC];
	_ =	sdelay $0x3  }
0x33: {  	p0 =	seq.s32 s10, $0x1;
	s10 =	sld [smem:$0x3FAE];
	_ =	sdelay $0x3  }
0x34: {  	[smem:$0x3FAE] =	sst s10  }
0x35: {  	s10 =	sld [smem:$0x3FAD];
	_ =	sdelay $0x3  }
0x36: {  	p1 =	seq.s32 s10, $0x1;
	s10 =	sld [smem:$0x3FAE];
	_ =	sdelay $0x3  }
0x37: {  	[smem:$0x3FAE] =	sst s10  }
0x38: {  	s10 =	sld [smem:$0x3FAF]  }
0x39: {  	_ = 	snop;
	(pc) =	sbr.ind lr, $3  }
0x3a: {  	_ = 	snop  }
0x3b: {  	_ = 	snop  }
0x3c: {  	p2 =	seq.s32 s10, $0x1;
	s10 =	sld [smem:$0x3FAE]  }
0x3d: {  	_ =	shalt  }
0x3e: {  	_ =	shalt  }
0x3f: {  	_ =	shalt  }
0x40: {  	_ =	shalt  }
0x41: {  	_ =	shalt  }
0x42: {  	_ =	shalt  }
0x43: {  	_ =	shalt  }
0x44: {  	_ =	shalt  }
0x45: {  	_ =	shalt  }
0x46: {  	_ =	shalt  }
0x47: {  	_ =	shalt  }
0x48: {  	_ =	shalt  }
0x49: {  	_ =	shalt  }
0x4a: {  	_ =	shalt  }
0x4b: {  	_ =	shalt  }
0x4c: {  	_ =	shalt  }
0x4d: {  	_ =	shalt  }
0x4e: {  	_ =	shalt  }
0x4f: {  	_ =	shalt  }
0x50: {  	_ =	shalt  }
0x51: {  	_ =	shalt  }
0x52: {  	_ =	shalt  }
0x53: {  	_ =	shalt  }
0x54: {  	_ =	shalt  }
0x55: {  	_ =	shalt  }
0x56: {  	_ =	shalt  }
0x57: {  	_ =	shalt  }
0x58: {  	_ =	shalt  }
0x59: {  	_ =	shalt  }
0x5a: {  	_ =	shalt  }
0x5b: {  	_ =	shalt  }
0x5c: {  	_ =	shalt  }
0x5d: {  	_ =	shalt  }
0x5e: {  	_ =	shalt  }
0x5f: {  	_ =	shalt  }
0x60: {  	_ =	shalt  }
0x61: {  	_ =	shalt  }
0x62: {  	_ =	shalt  }
0x63: {  	_ =	shalt  }
0x64: {  	_ =	shalt  }
0x65: {  	_ =	shalt  }
0x66: {  	_ =	shalt  }
0x67: {  	_ =	shalt  }
0x68: {  	_ =	shalt  }
0x69: {  	_ =	shalt  }
0x6a: {  	_ =	shalt  }
0x6b: {  	_ =	shalt  }
0x6c: {  	_ =	shalt  }
0x6d: {  	_ =	shalt  }
0x6e: {  	_ =	shalt  }
0x6f: {  	_ =	shalt  }
0x70: {  	_ =	shalt  }
0x71: {  	_ =	shalt  }
0x72: {  	_ =	shalt  }
0x73: {  	_ =	shalt  }
0x74: {  	_ =	shalt  }
0x75: {  	_ =	shalt  }
0x76: {  	_ =	shalt  }
0x77: {  	_ =	shalt  }
0x78: {  	_ =	shalt  }
0x79: {  	_ =	shalt  }
0x7a: {  	_ =	shalt  }
0x7b: {  	_ =	shalt  }
0x7c: {  	_ =	shalt  }
0x7d: {  	_ =	shalt  }
0x7e: {  	_ =	shalt  }
0x7f: {  	_ =	shalt  }
0x80: {  	_ =	shalt  }
0x81: {  	_ =	shalt  }
0x82: {  	_ =	shalt  }
0x83: {  	_ =	shalt  }
0x84: {  	_ =	shalt  }
0x85: {  	_ =	shalt  }
0x86: {  	_ =	shalt  }
0x87: {  	_ =	shalt  }
.Lfunc_end0:
.L_simem_size_0:
called_computation_lowered:
.L_overlay_start_0:
0x88: {  	s2 =	sld [smem:$0x3FD9]  }
0x89: {  	s3 =	sld [smem:$0x3FFE];
	_ =	sdelay $0x1  }
0x8a: {  	s1 =	srdreg.scid  }
0x8b: {  	s0 =	sand.u32 $0x1, s1  }
0x8c: {  	s16 =	sshll.u32 s0, $0xA;
	s2 =	sadd.s32 s3, s2  }
0x8d: {  	s2 =	sadd.s32 s2, s16  }
0x8e: {  	[smem:$0x3FBA] =	sst s2  }
0x8f: {  	_ = 	snop  }
0x90: {  	(tm) =	ssettm $0x1  }
0x91: {  	s17 =	sld [smem:$0x3FFB];
	_ =	sdelay $0x3  }
0x92: {  	_ =	strace s17  }
0x93: {  	s2 =	sld [smem:$0x3FFC];
	_ =	sdelay $0x3  }
0x94: {  	_ =	strace s2  }
0x95: {  	s2 =	sld [smem:$0x3FFD];
	_ =	sdelay $0x3  }
0x96: {  	_ =	strace s2  }
0x97: {  	_ =	strace $0x8FFFFFFF  }
0x98: {  	s18 =	sld [smem:$0x3FDB];
	_ =	sdelay $0x1  }
0x99: {  	s19 =	simm.s32 $_scs_section_size  }
0x9a: {  	s4 =	simm.s32 $_size__tile_overlayer_lowered;
	s5 =	simm.s32 $_tile_overlayer_lowered  }
0x9b: {  	s22 =	simm.s32 $0x1BFF;
	s21 =	sshll.u32 s5, $0x1;
	s2 =	sadd.s32 s19, s18  }
0x9c: {  	s6 =	simm.s32 $0x0;
	s20 =	sshll.u32 s4, $0x1;
	s4 =	sadd.s32 s21, s2  }
0x9d: {  	[timem:s6], [sflag:s22] =	dma.local [hbm:s4], s20  }
0x9e: {  	_ =	swait.ge [sflag:s22], s20  }
0x9f: {  	s3 =	ssub.s32 $0x0, s20;
	[sflag:s22] =	ssyncset.done $0x0  }
0xa0: {  	[sflag:s22] =	ssyncadd.s32 s3;
	_ =	sdelay $0x1  }
0xa1: {  	s23 =	simm.s32 $0x1B8B  }
0xa2: {  	_ =	swait.ge [sflag:s23], $0x1  }
0xa3: {  	[sflag:s23] =	ssyncset.done $0x0  }
0xa4: {  	s25 =	simm.s32 $0x1B8E;
	s24 =	sld [smem:$0x3FFE];
	[sflag:s23] =	ssyncadd.s32 $0xFFFFFFFF  }
0xa5: {  	s26 =	simm.s32 $execute0_lowered;
	[smem:$0x3FD2] =	sst s25  }
0xa6: {  	s4 =	sshll.u32 s26, $0x1;
	_ =	strace $0x80000046;
	[dreg:$0x1] =	wrdreg $0xFFFFFFFF  }
0xa7: {  	s28 =	simm.s32 $_size_execute0_lowered;
	s2 =	sadd.s32 s2, s4;
	[dreg:$0x0] =	wrdreg $0x0  }
0xa8: {  	s4 =	sshll.u32 s28, $0x1;
	[dreg:$0x2] =	wrdreg s2  }
0xa9: {  	[dreg:$0x3] =	wrdreg s4  }
0xaa: {  	[dreg:$0x4] =	wrdreg $0xC0  }
0xab: {  	_ =	task [dreg:s6], $0x5FFFF  }
0xac: {  	[dreg:$0x1] =	wrdreg $0xFFFFFFFF  }
0xad: {  	[dreg:$0x0] =	wrdreg $0x60  }
0xae: {  	[dreg:$0x2] =	wrdreg s24  }
0xaf: {  	[dreg:$0x3] =	wrdreg $0x68000  }
0xb0: {  	[dreg:$0x4] =	wrdreg $0x9  }
0xb1: {  	_ =	task.clear_ibuf [dreg:s6], $0x5FFFF;
	_ =	strace $0x90000046  }
0xb2: {  	s29 =	simm.s32 $0x9;
	_ =	strace $0x80000048  }
0xb3: {  	_ =	swait.ge [sflag:s29], $0x1  }
0xb4: {  	[sflag:s29] =	ssyncadd.s32 $0xFFFFFFFF  }
0xb5: {  	_ =	strace $0x90000048  }
0xb6: {  	_ =	sfence  }
0xb7: {  	s30 =	sld [smem:$0x0];
	_ =	sdelay $0x2  }
0xb8: {  	s31 =	sshll.u32 s1, $0xD;
	s1 =	sshrl.u32 s1, $0x2  }
0xb9: {  	s3 =	sand.u32 $0x4000, s31;
	s1 =	sadd.s32 s1, s30  }
0xba: {  	s0 =	sor.u32 s3, s0;
	s1 =	sshll.u32 s1, $0x11  }
0xbb: {  	s0 =	sor.u32 s1, s0  }
0xbc: {  	s0 =	sadd.s32 $0x8F2B, s0  }
0xbd: {  	[sflag:s0] =	ssyncadd.remote.s32 $0x1  }
0xbe: {  	_ =	sfence.sel $0xFFFF  }
0xbf: {  	[dreg:$0x0] =	wrdreg $0xFFFFFFFF;
	(pc) =	sbr.abs _section_cstart, $3  }
0xc0: {  	[dreg:$0x1] =	wrdreg $0xFFFFFFFF  }
0xc1: {  	_ =	task.clear_ibuf [dreg:s6], $0x2FFFF;
	_ =	strace $0x9FFFFFFF  }
0xc2: {  	(tm) =	ssettm $0x7FFFFFFF  }
0xc3: {  	_ =	shalt  }
tec
execute0_lowered:
.L_overlay_start_1:
0x0: {  	(tag) =	ssettag $0x1  }
0x1: {  	s1 =	srdreg.scid;
	s5 =	rddreg [dreg:$0x0]  }
0x2: {  	s0 =	stileid.u32;
	s2 =	rddreg [dreg:$0x1]  }
0x3: {  	s3 =	simm.s32 $0x0;
	s13 =	simm.s32 $0x1;
	s14 =	simm.s32 $0x80  }
0x4: {  	s4 =	sand.u32 $0x1, s1;
	s26 =	sshll.u32 s0, $0x1;
	s8 =	smul.u32 $0x14000, s0  }
0x5: {  	[smem:$0x7FF] =	sst s3;
	s9 =	smul.u32 $0x50000, s0;
	s15 =	sshll.u32 s0, $0x6  }
0x6: {  	s1 =	sor.u32 s4, s26;
	s7 =	smul.u32 $0x140000, s4;
	s29 =	ssub.s32 $0x2, s4  }
0x7: {  	s15 =	sor.u32 $0x1C01, s15;
	s6 =	smul.u32 $0x500, s1;
	s1 =	rddreg [dreg:$0x2]  }
0x8: {  	_ =	strace $0x80000047;
	s30 =	sshrl.u32 s9, $0x2;
	s31 =	sshrl.u32 s29, $0x1  }
0x9: {  	s28 =	sadd.s32 s8, s7;
	s4 =	sadd.s32 s30, s2;
	s12 =	ssub.s32 s29, s31  }
0xa: {  	s10 =	sadd.s32 s6, s5;
	s6 =	sshrl.u32 s28, $0x3;
	s7 =	sadd.s32 $0xC000, s4  }
0xb: {  	s8 =	sadd.s32 $0x10000, s4;
	s16 =	sshrl.u32 s4, $0x3;
	s11 =	sadd.s32 s6, s5  }
0xc: {  	s5 =	sadd.s32 $0x4000, s4;
	s6 =	sadd.s32 $0x8000, s4;
	s9 =	sadd.s32 $0x3400, s10  }
0xd: {  	v0 =	vimm.f32 $0.0e+00;
	v1 =	vimm.f32 $1.000000000e+00;
	s10 =	sadd.s32 $0xD400, s11;
	s11 =	smax.u32 s12, $0x1;
	s12 =	simm.s32 $0x2800  }
.LBB2_1:
0xe: {  	s17 =	simm.s32 $0x0;
	s18 =	simm.s32 $0x200  }
.LBB2_2:
0xf: {  	p0 =	sne.s32 s18, $0xFE00;
	[tilespmem:s17+$0x2870] =	vst v0  }
0x10: {  	[tilespmem:s17+$0x2800] =	vst v0  }
0x11: {  	[tilespmem:s17+$0x2810] =	vst v0  }
.Ltmp0:
0x12: {  	[tilespmem:s17+$0x2820] =	vst v0;
	(pc) =	sbr.rel @p0 .LBB2_2-.Ltmp0, $4  }
0x13: {  	[tilespmem:s17+$0x2830] =	vst v0  }
0x14: {  	[tilespmem:s17+$0x2840] =	vst v0  }
0x15: {  	[tilespmem:s17+$0x2850] =	vst v0  }
0x16: {  	[tilespmem:s17+$0x2860] =	vst v0;
	s17 =	sshra.s32 s18, $0x2;
	s18 =	sadd.s32 $0x200, s18  }
0x17: {  	[tilespmem:s17+$0x2870] =	vst v0  }
0x18: {  	[tilespmem:s17+$0x2800] =	vst v0  }
0x19: {  	[tilespmem:s17+$0x2810] =	vst v0  }
0x1a: {  	[tilespmem:s17+$0x2820] =	vst v0  }
0x1b: {  	[tilespmem:s17+$0x2830] =	vst v0  }
0x1c: {  	[tilespmem:s17+$0x2840] =	vst v0  }
0x1d: {  	[tilespmem:s17+$0x2850] =	vst v0  }
0x1e: {  	[tilespmem:s17+$0x2860] =	vst v0  }
0x1f: {  	[spmem:s4] =	stream.linear.scatter [tilespmem:s12], [sflag:$0x1], $0x4000, $0x38;
	[tilespmem:$0x1A800] =	vst v63  }
0x20: {  	_ =	swait.ge [sflag:s13], $0x4000  }
0x21: {  	[sflag:s13] =	ssyncset.done $0x0  }
0x22: {  	[sflag:s13] =	ssyncadd.s32 $0xFFFFC000  }
0x23: {  	[spmem:s5] =	stream.linear.scatter [tilespmem:s12], [sflag:$0x1], $0x4000, $0x38;
	[tilespmem:$0x1A800] =	vst v63  }
0x24: {  	_ =	swait.ge [sflag:s13], $0x4000  }
0x25: {  	[sflag:s13] =	ssyncset.done $0x0  }
0x26: {  	[sflag:s13] =	ssyncadd.s32 $0xFFFFC000  }
0x27: {  	[spmem:s6] =	stream.linear.scatter [tilespmem:s12], [sflag:$0x1], $0x4000, $0x38;
	[tilespmem:$0x1A800] =	vst v63  }
0x28: {  	_ =	swait.ge [sflag:s13], $0x4000  }
0x29: {  	[sflag:s13] =	ssyncset.done $0x0  }
0x2a: {  	[sflag:s13] =	ssyncadd.s32 $0xFFFFC000  }
0x2b: {  	[spmem:s7] =	stream.linear.scatter [tilespmem:s12], [sflag:$0x1], $0x4000, $0x38;
	[tilespmem:$0x1A800] =	vst v63  }
0x2c: {  	_ =	swait.ge [sflag:s13], $0x4000  }
0x2d: {  	[sflag:s13] =	ssyncset.done $0x0  }
0x2e: {  	[sflag:s13] =	ssyncadd.s32 $0xFFFFC000  }
0x2f: {  	[spmem:s8] =	stream.linear.scatter [tilespmem:s12], [sflag:$0x1], $0x4000, $0x38;
	[tilespmem:$0x1A800] =	vst v63  }
0x30: {  	_ =	swait.ge [sflag:s13], $0x4000  }
0x31: {  	[sflag:s13] =	ssyncset.done $0x0  }
0x32: {  	s17 =	simm.s32 $0x0;
	s18 =	simm.s32 $0x200;
	[sflag:s13] =	ssyncadd.s32 $0xFFFFC000  }
.LBB2_4:
0x33: {  	p0 =	sne.s32 s18, $0xFE00;
	[tilespmem:s17+$0x2870] =	vst v1  }
0x34: {  	[tilespmem:s17+$0x2800] =	vst v1  }
0x35: {  	[tilespmem:s17+$0x2810] =	vst v1  }
.Ltmp1:
0x36: {  	[tilespmem:s17+$0x2820] =	vst v1;
	(pc) =	sbr.rel @p0 .LBB2_4-.Ltmp1, $4  }
0x37: {  	[tilespmem:s17+$0x2830] =	vst v1  }
0x38: {  	[tilespmem:s17+$0x2840] =	vst v1  }
0x39: {  	[tilespmem:s17+$0x2850] =	vst v1  }
0x3a: {  	[tilespmem:s17+$0x2860] =	vst v1;
	s17 =	sshra.s32 s18, $0x2;
	s18 =	sadd.s32 $0x200, s18  }
0x3b: {  	[tilespmem:s17+$0x2870] =	vst v1  }
0x3c: {  	[tilespmem:s17+$0x2800] =	vst v1  }
0x3d: {  	[tilespmem:s17+$0x2810] =	vst v1  }
0x3e: {  	[tilespmem:s17+$0x2820] =	vst v1  }
0x3f: {  	[tilespmem:s17+$0x2830] =	vst v1  }
0x40: {  	[tilespmem:s17+$0x2840] =	vst v1  }
0x41: {  	[tilespmem:s17+$0x2850] =	vst v1  }
0x42: {  	[tilespmem:s17+$0x2860] =	vst v1;
	s30 =	simm.s32 $0x0  }
0x43: {  	[tilespmem:s30], [sflag:$0x1] =	stream.linear.gather [hbm4b:s9+s30], $0x2780, $0x38;
	[tilespmem:$0x1A800] =	vst v63  }
0x44: {  	_ =	swait.ge [sflag:s13], $0x2780  }
0x45: {  	[sflag:s13] =	ssyncset.done $0x0  }
0x46: {  	[sflag:s13] =	ssyncadd.s32 $0xFFFFD880  }
0x47: {  	s31 =	simm.s32 $0x0;
	[bflag:$0x0] =	sbarrier.arrive $0xFFFF  }
0x48: {  	[spmem:s2] =	stream.indirect.scatter.add.f32 [tilespmem:s12], [sflag:$0x1], $0x80, s31, s14, $0xb8;
	[tilespmem:$0x1A800] =	vst v63  }
0x49: {  	_ =	swait.ge [sflag:s13], $0x4000  }
0x4a: {  	s17 =	simm.s32 $0x200;
	[sflag:s13] =	ssyncset.done $0x0  }
.LBB2_6:
0x4b: {  	s18 =	sshra.s32 s17, $0x2;
	[sflag:s13] =	ssyncadd.s32 $0xFFFFC000;
	p0 =	sne.s32 s17, $0x9C00  }
0x4c: {  	[spmem:s2] =	stream.indirect.scatter.add.f32 [tilespmem:s12], [sflag:$0x1], $0x80, s18, s14, $0xb8;
	[tilespmem:$0x1A800] =	vst v63  }
.Ltmp2:
0x4d: {  	_ = 	snop;
	(pc) =	sbr.rel @p0 .LBB2_6-.Ltmp2, $4  }
0x4e: {  	_ = 	snop  }
0x4f: {  	s17 =	sadd.s32 $0x200, s17  }
0x50: {  	_ =	swait.ge [sflag:s13], $0x4000  }
0x51: {  	[sflag:s13] =	ssyncset.done $0x0  }
0x52: {  	s3 =	sadd.s32 $0x1, s3  }
0x53: {  	[sflag:s13] =	ssyncadd.s32 $0xFFFFC000;
	p0 =	sne.s32 s3, s11  }
.Ltmp3:
0x54: {  	[bflag:$0x0] =	sbarrier.arrive $0xFFFF;
	(pc) =	sbr.rel @p0 .LBB2_1-.Ltmp3, $4  }
0x55: {  	[hbm:s10], [sflag:s15] =	dma.local [spmem:s16], $0x2800  }
0x56: {  	_ =	swait.ge [sflag:s13], $0x2800  }
0x57: {  	[sflag:s13] =	ssyncset.done $0x0  }
0x58: {  	[sflag:s13] =	ssyncadd.s32 $0xFFFFD800  }
0x59: {  	_ =	sfence.sel $0x180000  }
0x5a: {  	[bflag:$0x0] =	sbarrier.arrive $0xFFFF  }
0x5b: {  	p0 =	sne.s32 s0, $0x0;
	_ =	strace $0x90000047  }
0x5c: {  	s0 =	sadd.s32 @!p0 $0x100000, s1;
	[bflag:$0x2] =	sbarrier.arrive $0xFFFF  }
0x5d: {  	[sflag:s0] =	ssyncadd.tile.s32 @!p0 $0x1;
	_ =	shalt  }
.Lfunc_end2:
_tile_overlayer_lowered:
.L_overlay_start_2:
0x5e: {  	(tag) =	ssettag $0x2  }
0x5f: {  	s0 =	rddreg [dreg:$0x0];
	s2 =	stileid.u32  }
0x60: {  	s1 =	rddreg [dreg:$0x1];
	p0 =	sne.s32 s2, $0x0  }
0x61: {  	s3 =	rddreg [dreg:$0x2];
	[bflag:$0x3] =	sbarrier.arrive $0xFFFF;
	s2 =	simm.s32 @!p0 $0x1C01  }
0x62: {  	[timem:s3], [sflag:s2] =	dma.local @!p0 [hbm:s0], s1  }
0x63: {  	s0 =	simm.s32 @!p0 $0x1  }
0x64: {  	_ =	swait.ge @!p0 [sflag:s0], s1  }
0x65: {  	s1 =	ssub.s32 @!p0 $0x0, s1;
	[sflag:s0] =	ssyncset.done @!p0 $0x0  }
0x66: {  	[sflag:s0] =	ssyncadd.s32 @!p0 s1  }
0x67: {  	[bflag:$0x3] =	sbarrier.arrive $0xFFFF  }
0x68: {  	_ =	shalt  }

</sc_bundles>
